<compile_context>
chip_gen: v7x
topology: tpu7x:2x2x1
jax: 0.10.2.dev20260603
libtpu: 0.0.44.dev20260713+nightly
codegen_flags: <defaults>
</compile_context>

<pallas_src>
import jax
import jax.numpy as jnp
import numpy as np
from jax import lax
from jax.experimental import pallas as pl
from jax.experimental.pallas import tpu as pltpu
from jax.experimental.pallas import tpu_sc as plsc

C = 96
H = 512
W = 512
FH = 128
FW = 128
L = FH * FW
NW = 32
PR_PER_W = FH // NW
ROWS_PER_W = 4 * PR_PER_W
LW = PR_PER_W * FW
CG = 4
NB = 2 * CG

with jax.default_device(jax.devices("cpu")[0]):
    _SIDX = np.asarray(
        jax.random.randint(jax.random.key(42), (L,), 0, 16, jnp.int32))

_LL = np.arange(L)
_ROW = 4 * ((_LL // FW) % PR_PER_W) + (_SIDX >> 2)
_COL = 4 * (_LL % FW) + (_SIDX & 3)
_IBUF = ((_ROW << 9) | _COL).astype(np.int32)


def _slab_src(x_hbm, wid, c):
    return x_hbm.at[pl.ds(c * H + wid * ROWS_PER_W, ROWS_PER_W), :]


def _body(x_hbm, ib_hbm, out_hbm, ibuf, xbufs, obuf, load_sem,
          store_sem, sem_s):
    cid = lax.axis_index("c")
    sid = lax.axis_index("s")
    wid = sid * 2 + cid
    base_l = wid * LW

    pltpu.async_copy(ib_hbm.at[pl.ds(base_l, LW)], ibuf, sem_s)
    for b in range(NB):
        pltpu.async_copy(_slab_src(x_hbm, wid, b), xbufs[b], load_sem)
    pltpu.make_async_copy(ib_hbm.at[pl.ds(base_l, LW)], ibuf, sem_s).wait()

    def group(g, carry):
        for half in range(NB // CG):
            c0 = g * NB + half * CG
            for k in range(CG):
                pltpu.make_async_copy(
                    _slab_src(x_hbm, wid, c0 + k), xbufs[half * CG + k],
                    load_sem,
                ).wait()
            @plsc.parallel_loop(0, LW // 16, unroll=4)
            def _sweep(i):
                p = ibuf[pl.ds(i * 16, 16)]
                row = p >> 9
                col = p & (W - 1)
                for k in range(CG):
                    obuf[c0 + k, pl.ds(i * 16, 16)] = plsc.load_gather(
                        xbufs[half * CG + k], [row, col]
                    )

            @pl.when(c0 + NB + CG <= C)
            def _():
                for k in range(CG):
                    pltpu.async_copy(
                        _slab_src(x_hbm, wid, c0 + NB + k),
                        xbufs[half * CG + k], load_sem,
                    )

            pltpu.async_copy(
                obuf.at[pl.ds(c0, CG), :],
                out_hbm.at[pl.ds(c0, CG), pl.ds(base_l, LW)],
                store_sem,
            )

        return carry

    lax.fori_loop(0, C // NB, group, 0)
    for g in range(C // CG):
        pltpu.make_async_copy(
            obuf.at[pl.ds(g * CG, CG), :],
            out_hbm.at[pl.ds(g * CG, CG), pl.ds(base_l, LW)],
            store_sem,
        ).wait()


def _body_wrap(x_hbm, ib_hbm, out_hbm, ibuf, *rest):
    xbufs = rest[:NB]
    obuf, load_sem, store_sem, sem_s = rest[NB:]
    _body(x_hbm, ib_hbm, out_hbm, ibuf, xbufs, obuf, load_sem,
          store_sem, sem_s)


@jax.jit
def _run(xr, sidx):
    mesh = plsc.VectorSubcoreMesh(core_axis_name="c", subcore_axis_name="s")
    kfn = pl.kernel(
        _body_wrap,
        out_type=jax.ShapeDtypeStruct((C, L), jnp.float32),
        mesh=mesh,
        scratch_types=[
            pltpu.VMEM((LW,), jnp.int32),
        ] + [
            pltpu.VMEM((ROWS_PER_W, W), jnp.float32)
            for _ in range(NB)
        ] + [
            pltpu.VMEM((C, LW), jnp.float32),
            pltpu.SemaphoreType.DMA,
            pltpu.SemaphoreType.DMA,
            pltpu.SemaphoreType.DMA,
        ],
        compiler_params=pltpu.CompilerParams(needs_layout_passes=False),
    )
    return kfn(xr, sidx)


def kernel(x):
    b, c, h, w = x.shape
    sidx = jnp.asarray(_IBUF)
    xr = x.reshape(C * H, W)
    out = _run(xr, sidx)
    return out.reshape(1, C, L)

# --- scband reference (transcript-rebuilt; emitter-appended) ---
"""Pipeline reference for scband-sparse-random-sampling-4483945857083 (READ-ONLY COPY).

The authoritative reference and input builder live on the scoring server;
editing this copy changes nothing except your own understanding.
"""

import jax, jax.numpy as jnp
import numpy as np

NUM = 1
KH, KW = 4, 4
STRIDE = 4


def setup_inputs(seed: int = 0) -> dict:
    key = jax.random.key(seed)
    x = jax.random.normal(key, (1, 96, 512, 512), dtype=jnp.float32)
    return {"x": x}


def _unfold(x, kh, kw, s):
    # Equivalent of torch.nn.Unfold(kernel_size=(kh,kw), stride=s) followed by
    # .view(b, c, kh*kw, L) as in the original module.
    b, c, h, w = x.shape
    fh = (h - kh) // s + 1
    fw = (w - kw) // s + 1
    row_starts = jnp.arange(fh) * s
    col_starts = jnp.arange(fw) * s
    rows = row_starts[:, None] + jnp.arange(kh)[None, :]   # (fh, kh)
    cols = col_starts[:, None] + jnp.arange(kw)[None, :]   # (fw, kw)
    # advanced indexing: result (b, c, fh, fw, kh, kw)
    patches = x[:, :, rows[:, None, :, None], cols[None, :, None, :]]
    patches = jnp.transpose(patches, (0, 1, 4, 5, 2, 3))   # (b, c, kh, kw, fh, fw)
    return patches.reshape(b, c, kh * kw, fh * fw)


def reference(x):
    b, c, h, w = x.shape
    fh = (h - KH) // STRIDE + 1
    fw = (w - KW) // STRIDE + 1
    L = fh * fw
    kk = KH * KW
    xu = _unfold(x, KH, KW, STRIDE)  # (b, c, kk, L)
    # torch.multinomial over uniform probs == uniform categorical sampling,
    # drawn independently for every batch element and every patch location.
    skey = jax.random.key(42)
    sample_ind = jax.random.randint(skey, (b, 1, NUM, L), 0, kk)  # (b,1,nums,L)
    idx = jnp.broadcast_to(sample_ind, (b, c, NUM, L))
    gathered = jnp.take_along_axis(xu, idx, axis=2)  # (b, c, nums, L)
    out = jnp.transpose(gathered, (0, 1, 3, 2)).reshape(1, c, L * NUM)
    return out

if __name__ == "__main__":
    import jax
    _d = setup_inputs()
    print(jax.jit(kernel)(*tuple(_d.values())))

</pallas_src>

<mosaic_0001>
#map = affine_map<(d0, d1) -> (0, 0)>
#map1 = affine_map<(d0, d1) -> (0)>
module attributes {stable_mosaic.version = 14 : i64} {
  func.func @_body_wrap(%arg0: i32, %arg1: i32, %arg2: memref<49152x512xf32, #tpu.memory_space<hbm>>, %arg3: memref<16384xi32, #tpu.memory_space<hbm>>, %arg4: memref<96x16384xf32, #tpu.memory_space<hbm>>, %arg5: memref<512xi32, #tpu.memory_space<vmem>>, %arg6: memref<16x512xf32, #tpu.memory_space<vmem>>, %arg7: memref<16x512xf32, #tpu.memory_space<vmem>>, %arg8: memref<16x512xf32, #tpu.memory_space<vmem>>, %arg9: memref<16x512xf32, #tpu.memory_space<vmem>>, %arg10: memref<16x512xf32, #tpu.memory_space<vmem>>, %arg11: memref<16x512xf32, #tpu.memory_space<vmem>>, %arg12: memref<16x512xf32, #tpu.memory_space<vmem>>, %arg13: memref<16x512xf32, #tpu.memory_space<vmem>>, %arg14: memref<96x512xf32, #tpu.memory_space<vmem>>, %arg15: memref<!tpu.dma_semaphore, #tpu.memory_space<semaphore_mem>>, %arg16: memref<!tpu.dma_semaphore, #tpu.memory_space<semaphore_mem>>, %arg17: memref<!tpu.dma_semaphore, #tpu.memory_space<semaphore_mem>>) attributes {dimension_semantics = [#tpu.dimension_semantics<core_parallel>, #tpu.dimension_semantics<subcore_parallel>], iteration_bounds = array<i64: 2, 16>, scalar_prefetch = 0 : i64, scratch_operands = 13 : i64, tpu.core_type = #tpu.core_type<sc_vector_subcore>, window_params = [{transform_indices = #map}, {transform_indices = #map1}, {transform_indices = #map}]} {
    %mul3A = arith.constant 2 : i32
    %mul3A_0 = arith.muli %arg1, %mul3A : i32
    %add3A = arith.addi %mul3A_0, %arg0 : i32
    %mul3A_1 = arith.constant 512 : i32
    %mul3A_2 = arith.muli %add3A, %mul3A_1 : i32
    %dma_start3A = tpu.memref_slice %arg3[%mul3A_2] : memref<16384xi32, #tpu.memory_space<hbm>> -> memref<512xi32, #tpu.memory_space<hbm>>
    %dma_start3A_3 = tpu.memref_slice %arg3[%mul3A_2] : memref<16384xi32, #tpu.memory_space<hbm>> -> memref<512xi32, #tpu.memory_space<hbm>>
    tpu.enqueue_dma source(%dma_start3A_3 : memref<512xi32, #tpu.memory_space<hbm>>) target(%arg5 : memref<512xi32, #tpu.memory_space<vmem>>) target_semaphore(%arg17 : memref<!tpu.dma_semaphore, #tpu.memory_space<semaphore_mem>>)
    %mul3A_4 = arith.constant 16 : i32
    %mul3A_5 = arith.muli %add3A, %mul3A_4 : i32
    %add3A_6 = arith.constant 0 : i32
    %add3A_7 = arith.addi %add3A_6, %mul3A_5 : i32
    %dma_start3A_8 = arith.constant 0 : i32
    %dma_start3A_9 = tpu.memref_slice %arg2[%add3A_7, %dma_start3A_8] : memref<49152x512xf32, #tpu.memory_space<hbm>> -> memref<16x512xf32, #tpu.memory_space<hbm>>
    %dma_start3A_10 = arith.constant 0 : i32
    %dma_start3A_11 = tpu.memref_slice %arg2[%add3A_7, %dma_start3A_10] : memref<49152x512xf32, #tpu.memory_space<hbm>> -> memref<16x512xf32, #tpu.memory_space<hbm>>
    tpu.enqueue_dma source(%dma_start3A_11 : memref<16x512xf32, #tpu.memory_space<hbm>>) target(%arg6 : memref<16x512xf32, #tpu.memory_space<vmem>>) target_semaphore(%arg15 : memref<!tpu.dma_semaphore, #tpu.memory_space<semaphore_mem>>)
    %mul3A_12 = arith.constant 16 : i32
    %mul3A_13 = arith.muli %add3A, %mul3A_12 : i32
    %add3A_14 = arith.constant 512 : i32
    %add3A_15 = arith.addi %add3A_14, %mul3A_13 : i32
    %dma_start3A_16 = arith.constant 0 : i32
    %dma_start3A_17 = tpu.memref_slice %arg2[%add3A_15, %dma_start3A_16] : memref<49152x512xf32, #tpu.memory_space<hbm>> -> memref<16x512xf32, #tpu.memory_space<hbm>>
    %dma_start3A_18 = arith.constant 0 : i32
    %dma_start3A_19 = tpu.memref_slice %arg2[%add3A_15, %dma_start3A_18] : memref<49152x512xf32, #tpu.memory_space<hbm>> -> memref<16x512xf32, #tpu.memory_space<hbm>>
    tpu.enqueue_dma source(%dma_start3A_19 : memref<16x512xf32, #tpu.memory_space<hbm>>) target(%arg7 : memref<16x512xf32, #tpu.memory_space<vmem>>) target_semaphore(%arg15 : memref<!tpu.dma_semaphore, #tpu.memory_space<semaphore_mem>>)
    %mul3A_20 = arith.constant 16 : i32
    %mul3A_21 = arith.muli %add3A, %mul3A_20 : i32
    %add3A_22 = arith.constant 1024 : i32
    %add3A_23 = arith.addi %add3A_22, %mul3A_21 : i32
    %dma_start3A_24 = arith.constant 0 : i32
    %dma_start3A_25 = tpu.memref_slice %arg2[%add3A_23, %dma_start3A_24] : memref<49152x512xf32, #tpu.memory_space<hbm>> -> memref<16x512xf32, #tpu.memory_space<hbm>>
    %dma_start3A_26 = arith.constant 0 : i32
    %dma_start3A_27 = tpu.memref_slice %arg2[%add3A_23, %dma_start3A_26] : memref<49152x512xf32, #tpu.memory_space<hbm>> -> memref<16x512xf32, #tpu.memory_space<hbm>>
    tpu.enqueue_dma source(%dma_start3A_27 : memref<16x512xf32, #tpu.memory_space<hbm>>) target(%arg8 : memref<16x512xf32, #tpu.memory_space<vmem>>) target_semaphore(%arg15 : memref<!tpu.dma_semaphore, #tpu.memory_space<semaphore_mem>>)
    %mul3A_28 = arith.constant 16 : i32
    %mul3A_29 = arith.muli %add3A, %mul3A_28 : i32
    %add3A_30 = arith.constant 1536 : i32
    %add3A_31 = arith.addi %add3A_30, %mul3A_29 : i32
    %dma_start3A_32 = arith.constant 0 : i32
    %dma_start3A_33 = tpu.memref_slice %arg2[%add3A_31, %dma_start3A_32] : memref<49152x512xf32, #tpu.memory_space<hbm>> -> memref<16x512xf32, #tpu.memory_space<hbm>>
    %dma_start3A_34 = arith.constant 0 : i32
    %dma_start3A_35 = tpu.memref_slice %arg2[%add3A_31, %dma_start3A_34] : memref<49152x512xf32, #tpu.memory_space<hbm>> -> memref<16x512xf32, #tpu.memory_space<hbm>>
    tpu.enqueue_dma source(%dma_start3A_35 : memref<16x512xf32, #tpu.memory_space<hbm>>) target(%arg9 : memref<16x512xf32, #tpu.memory_space<vmem>>) target_semaphore(%arg15 : memref<!tpu.dma_semaphore, #tpu.memory_space<semaphore_mem>>)
    %mul3A_36 = arith.constant 16 : i32
    %mul3A_37 = arith.muli %add3A, %mul3A_36 : i32
    %add3A_38 = arith.constant 2048 : i32
    %add3A_39 = arith.addi %add3A_38, %mul3A_37 : i32
    %dma_start3A_40 = arith.constant 0 : i32
    %dma_start3A_41 = tpu.memref_slice %arg2[%add3A_39, %dma_start3A_40] : memref<49152x512xf32, #tpu.memory_space<hbm>> -> memref<16x512xf32, #tpu.memory_space<hbm>>
    %dma_start3A_42 = arith.constant 0 : i32
    %dma_start3A_43 = tpu.memref_slice %arg2[%add3A_39, %dma_start3A_42] : memref<49152x512xf32, #tpu.memory_space<hbm>> -> memref<16x512xf32, #tpu.memory_space<hbm>>
    tpu.enqueue_dma source(%dma_start3A_43 : memref<16x512xf32, #tpu.memory_space<hbm>>) target(%arg10 : memref<16x512xf32, #tpu.memory_space<vmem>>) target_semaphore(%arg15 : memref<!tpu.dma_semaphore, #tpu.memory_space<semaphore_mem>>)
    %mul3A_44 = arith.constant 16 : i32
    %mul3A_45 = arith.muli %add3A, %mul3A_44 : i32
    %add3A_46 = arith.constant 2560 : i32
    %add3A_47 = arith.addi %add3A_46, %mul3A_45 : i32
    %dma_start3A_48 = arith.constant 0 : i32
    %dma_start3A_49 = tpu.memref_slice %arg2[%add3A_47, %dma_start3A_48] : memref<49152x512xf32, #tpu.memory_space<hbm>> -> memref<16x512xf32, #tpu.memory_space<hbm>>
    %dma_start3A_50 = arith.constant 0 : i32
    %dma_start3A_51 = tpu.memref_slice %arg2[%add3A_47, %dma_start3A_50] : memref<49152x512xf32, #tpu.memory_space<hbm>> -> memref<16x512xf32, #tpu.memory_space<hbm>>
    tpu.enqueue_dma source(%dma_start3A_51 : memref<16x512xf32, #tpu.memory_space<hbm>>) target(%arg11 : memref<16x512xf32, #tpu.memory_space<vmem>>) target_semaphore(%arg15 : memref<!tpu.dma_semaphore, #tpu.memory_space<semaphore_mem>>)
    %mul3A_52 = arith.constant 16 : i32
    %mul3A_53 = arith.muli %add3A, %mul3A_52 : i32
    %add3A_54 = arith.constant 3072 : i32
    %add3A_55 = arith.addi %add3A_54, %mul3A_53 : i32
    %dma_start3A_56 = arith.constant 0 : i32
    %dma_start3A_57 = tpu.memref_slice %arg2[%add3A_55, %dma_start3A_56] : memref<49152x512xf32, #tpu.memory_space<hbm>> -> memref<16x512xf32, #tpu.memory_space<hbm>>
    %dma_start3A_58 = arith.constant 0 : i32
    %dma_start3A_59 = tpu.memref_slice %arg2[%add3A_55, %dma_start3A_58] : memref<49152x512xf32, #tpu.memory_space<hbm>> -> memref<16x512xf32, #tpu.memory_space<hbm>>
    tpu.enqueue_dma source(%dma_start3A_59 : memref<16x512xf32, #tpu.memory_space<hbm>>) target(%arg12 : memref<16x512xf32, #tpu.memory_space<vmem>>) target_semaphore(%arg15 : memref<!tpu.dma_semaphore, #tpu.memory_space<semaphore_mem>>)
    %mul3A_60 = arith.constant 16 : i32
    %mul3A_61 = arith.muli %add3A, %mul3A_60 : i32
    %add3A_62 = arith.constant 3584 : i32
    %add3A_63 = arith.addi %add3A_62, %mul3A_61 : i32
    %dma_start3A_64 = arith.constant 0 : i32
    %dma_start3A_65 = tpu.memref_slice %arg2[%add3A_63, %dma_start3A_64] : memref<49152x512xf32, #tpu.memory_space<hbm>> -> memref<16x512xf32, #tpu.memory_space<hbm>>
    %dma_start3A_66 = arith.constant 0 : i32
    %dma_start3A_67 = tpu.memref_slice %arg2[%add3A_63, %dma_start3A_66] : memref<49152x512xf32, #tpu.memory_space<hbm>> -> memref<16x512xf32, #tpu.memory_space<hbm>>
    tpu.enqueue_dma source(%dma_start3A_67 : memref<16x512xf32, #tpu.memory_space<hbm>>) target(%arg13 : memref<16x512xf32, #tpu.memory_space<vmem>>) target_semaphore(%arg15 : memref<!tpu.dma_semaphore, #tpu.memory_space<semaphore_mem>>)
    %dma_wait3A = tpu.memref_slice %arg3[%mul3A_2] : memref<16384xi32, #tpu.memory_space<hbm>> -> memref<512xi32, #tpu.memory_space<hbm>>
    %dma_wait3A_68 = tpu.memref_slice %arg3[%mul3A_2] : memref<16384xi32, #tpu.memory_space<hbm>> -> memref<512xi32, #tpu.memory_space<hbm>>
    tpu.wait_dma2 semaphore(%arg17 : memref<!tpu.dma_semaphore, #tpu.memory_space<semaphore_mem>>) src(%dma_wait3A_68 : memref<512xi32, #tpu.memory_space<hbm>>) dst(%arg5 : memref<512xi32, #tpu.memory_space<vmem>>)
    %scan3A = arith.constant 0 : i32
    %scan3A_69 = arith.constant 0 : i32
    %scan3A_70 = arith.constant 12 : i32
    %scan3A_71 = arith.addi %scan3A_69, %scan3A_70 : i32
    %scan3A_72 = arith.constant 1 : i32
    scf.for %scan3A_314 = %scan3A_69 to %scan3A_71 step %scan3A_72  : i32 {
      %mul3A_315 = arith.constant 8 : i32
      %mul3A_316 = arith.muli %scan3A_314, %mul3A_315 : i32
      %add3A_317 = arith.constant 0 : i32
      %add3A_318 = arith.addi %mul3A_316, %add3A_317 : i32
      %add3A_319 = arith.constant 0 : i32
      %add3A_320 = arith.addi %add3A_318, %add3A_319 : i32
      %mul3A_321 = arith.constant 512 : i32
      %mul3A_322 = arith.muli %add3A_320, %mul3A_321 : i32
      %mul3A_323 = arith.constant 16 : i32
      %mul3A_324 = arith.muli %add3A, %mul3A_323 : i32
      %add3A_325 = arith.addi %mul3A_322, %mul3A_324 : i32
      %dma_wait3A_326 = arith.constant 0 : i32
      %dma_wait3A_327 = tpu.memref_slice %arg2[%add3A_325, %dma_wait3A_326] : memref<49152x512xf32, #tpu.memory_space<hbm>> -> memref<16x512xf32, #tpu.memory_space<hbm>>
      %dma_wait3A_328 = arith.constant 0 : i32
      %dma_wait3A_329 = tpu.memref_slice %arg2[%add3A_325, %dma_wait3A_328] : memref<49152x512xf32, #tpu.memory_space<hbm>> -> memref<16x512xf32, #tpu.memory_space<hbm>>
      tpu.wait_dma2 semaphore(%arg15 : memref<!tpu.dma_semaphore, #tpu.memory_space<semaphore_mem>>) src(%dma_wait3A_329 : memref<16x512xf32, #tpu.memory_space<hbm>>) dst(%arg6 : memref<16x512xf32, #tpu.memory_space<vmem>>)
      %add3A_330 = arith.constant 1 : i32
      %add3A_331 = arith.addi %add3A_318, %add3A_330 : i32
      %mul3A_332 = arith.constant 512 : i32
      %mul3A_333 = arith.muli %add3A_331, %mul3A_332 : i32
      %mul3A_334 = arith.constant 16 : i32
      %mul3A_335 = arith.muli %add3A, %mul3A_334 : i32
      %add3A_336 = arith.addi %mul3A_333, %mul3A_335 : i32
      %dma_wait3A_337 = arith.constant 0 : i32
      %dma_wait3A_338 = tpu.memref_slice %arg2[%add3A_336, %dma_wait3A_337] : memref<49152x512xf32, #tpu.memory_space<hbm>> -> memref<16x512xf32, #tpu.memory_space<hbm>>
      %dma_wait3A_339 = arith.constant 0 : i32
      %dma_wait3A_340 = tpu.memref_slice %arg2[%add3A_336, %dma_wait3A_339] : memref<49152x512xf32, #tpu.memory_space<hbm>> -> memref<16x512xf32, #tpu.memory_space<hbm>>
      tpu.wait_dma2 semaphore(%arg15 : memref<!tpu.dma_semaphore, #tpu.memory_space<semaphore_mem>>) src(%dma_wait3A_340 : memref<16x512xf32, #tpu.memory_space<hbm>>) dst(%arg7 : memref<16x512xf32, #tpu.memory_space<vmem>>)
      %add3A_341 = arith.constant 2 : i32
      %add3A_342 = arith.addi %add3A_318, %add3A_341 : i32
      %mul3A_343 = arith.constant 512 : i32
      %mul3A_344 = arith.muli %add3A_342, %mul3A_343 : i32
      %mul3A_345 = arith.constant 16 : i32
      %mul3A_346 = arith.muli %add3A, %mul3A_345 : i32
      %add3A_347 = arith.addi %mul3A_344, %mul3A_346 : i32
      %dma_wait3A_348 = arith.constant 0 : i32
      %dma_wait3A_349 = tpu.memref_slice %arg2[%add3A_347, %dma_wait3A_348] : memref<49152x512xf32, #tpu.memory_space<hbm>> -> memref<16x512xf32, #tpu.memory_space<hbm>>
      %dma_wait3A_350 = arith.constant 0 : i32
      %dma_wait3A_351 = tpu.memref_slice %arg2[%add3A_347, %dma_wait3A_350] : memref<49152x512xf32, #tpu.memory_space<hbm>> -> memref<16x512xf32, #tpu.memory_space<hbm>>
      tpu.wait_dma2 semaphore(%arg15 : memref<!tpu.dma_semaphore, #tpu.memory_space<semaphore_mem>>) src(%dma_wait3A_351 : memref<16x512xf32, #tpu.memory_space<hbm>>) dst(%arg8 : memref<16x512xf32, #tpu.memory_space<vmem>>)
      %add3A_352 = arith.constant 3 : i32
      %add3A_353 = arith.addi %add3A_318, %add3A_352 : i32
      %mul3A_354 = arith.constant 512 : i32
      %mul3A_355 = arith.muli %add3A_353, %mul3A_354 : i32
      %mul3A_356 = arith.constant 16 : i32
      %mul3A_357 = arith.muli %add3A, %mul3A_356 : i32
      %add3A_358 = arith.addi %mul3A_355, %mul3A_357 : i32
      %dma_wait3A_359 = arith.constant 0 : i32
      %dma_wait3A_360 = tpu.memref_slice %arg2[%add3A_358, %dma_wait3A_359] : memref<49152x512xf32, #tpu.memory_space<hbm>> -> memref<16x512xf32, #tpu.memory_space<hbm>>
      %dma_wait3A_361 = arith.constant 0 : i32
      %dma_wait3A_362 = tpu.memref_slice %arg2[%add3A_358, %dma_wait3A_361] : memref<49152x512xf32, #tpu.memory_space<hbm>> -> memref<16x512xf32, #tpu.memory_space<hbm>>
      tpu.wait_dma2 semaphore(%arg15 : memref<!tpu.dma_semaphore, #tpu.memory_space<semaphore_mem>>) src(%dma_wait3A_362 : memref<16x512xf32, #tpu.memory_space<hbm>>) dst(%arg9 : memref<16x512xf32, #tpu.memory_space<vmem>>)
      %parallel_loop3A = arith.constant 0 : i32
      %parallel_loop3A_363 = arith.constant 32 : i32
      %parallel_loop3A_364 = arith.constant 1 : i32
      scf.for %parallel_loop3A_443 = %parallel_loop3A to %parallel_loop3A_363 step %parallel_loop3A_364  : i32 {
        %parallel_loop3A_444 = arith.constant 16 : i32
        %parallel_loop3A_445 = arith.muli %parallel_loop3A_443, %parallel_loop3A_444 : i32
        %parallel_loop3A_446 = arith.index_cast %parallel_loop3A_445 : i32 to index
        %parallel_loop3A_447 = tpu.vector_load %arg5[%parallel_loop3A_446] {strides = array<i32>} : memref<512xi32, #tpu.memory_space<vmem>>, vector<16xi32>,
        %parallel_loop3A_448 = arith.constant 9 : i32
        %parallel_loop3A_449 = vector.broadcast %parallel_loop3A_448 : i32 to vector<16xi32>
        %parallel_loop3A_450 = arith.shrsi %parallel_loop3A_447, %parallel_loop3A_449 : vector<16xi32>
        %parallel_loop3A_451 = arith.constant 511 : i32
        %parallel_loop3A_452 = vector.broadcast %parallel_loop3A_451 : i32 to vector<16xi32>
        %parallel_loop3A_453 = arith.andi %parallel_loop3A_447, %parallel_loop3A_452 : vector<16xi32>
        %parallel_loop3A_454 = tpu.vector_load_idx %arg6[%parallel_loop3A_450, %parallel_loop3A_453] : memref<16x512xf32, #tpu.memory_space<vmem>>[vector<16xi32>, vector<16xi32>], vector<16xf32>,
        %parallel_loop3A_455 = arith.constant 0 : i32
        %parallel_loop3A_456 = arith.addi %add3A_318, %parallel_loop3A_455 : i32
        %parallel_loop3A_457 = arith.constant 16 : i32
        %parallel_loop3A_458 = arith.muli %parallel_loop3A_443, %parallel_loop3A_457 : i32
        %parallel_loop3A_459 = arith.index_cast %parallel_loop3A_456 : i32 to index
        %parallel_loop3A_460 = arith.index_cast %parallel_loop3A_458 : i32 to index
        %parallel_loop3A_461 = tpu.vector_load %arg14[%parallel_loop3A_459, %parallel_loop3A_460] {strides = array<i32>} : memref<96x512xf32, #tpu.memory_space<vmem>>, vector<16xf32>,
        tpu.vector_store %arg14[%parallel_loop3A_459, %parallel_loop3A_460], %parallel_loop3A_454 {strides = array<i32>} : memref<96x512xf32, #tpu.memory_space<vmem>>, vector<16xf32>,
        %parallel_loop3A_462 = tpu.vector_load_idx %arg7[%parallel_loop3A_450, %parallel_loop3A_453] : memref<16x512xf32, #tpu.memory_space<vmem>>[vector<16xi32>, vector<16xi32>], vector<16xf32>,
        %parallel_loop3A_463 = arith.constant 1 : i32
        %parallel_loop3A_464 = arith.addi %add3A_318, %parallel_loop3A_463 : i32
        %parallel_loop3A_465 = arith.constant 16 : i32
        %parallel_loop3A_466 = arith.muli %parallel_loop3A_443, %parallel_loop3A_465 : i32
        %parallel_loop3A_467 = arith.index_cast %parallel_loop3A_464 : i32 to index
        %parallel_loop3A_468 = arith.index_cast %parallel_loop3A_466 : i32 to index
        %parallel_loop3A_469 = tpu.vector_load %arg14[%parallel_loop3A_467, %parallel_loop3A_468] {strides = array<i32>} : memref<96x512xf32, #tpu.memory_space<vmem>>, vector<16xf32>,
        tpu.vector_store %arg14[%parallel_loop3A_467, %parallel_loop3A_468], %parallel_loop3A_462 {strides = array<i32>} : memref<96x512xf32, #tpu.memory_space<vmem>>, vector<16xf32>,
        %parallel_loop3A_470 = tpu.vector_load_idx %arg8[%parallel_loop3A_450, %parallel_loop3A_453] : memref<16x512xf32, #tpu.memory_space<vmem>>[vector<16xi32>, vector<16xi32>], vector<16xf32>,
        %parallel_loop3A_471 = arith.constant 2 : i32
        %parallel_loop3A_472 = arith.addi %add3A_318, %parallel_loop3A_471 : i32
        %parallel_loop3A_473 = arith.constant 16 : i32
        %parallel_loop3A_474 = arith.muli %parallel_loop3A_443, %parallel_loop3A_473 : i32
        %parallel_loop3A_475 = arith.index_cast %parallel_loop3A_472 : i32 to index
        %parallel_loop3A_476 = arith.index_cast %parallel_loop3A_474 : i32 to index
        %parallel_loop3A_477 = tpu.vector_load %arg14[%parallel_loop3A_475, %parallel_loop3A_476] {strides = array<i32>} : memref<96x512xf32, #tpu.memory_space<vmem>>, vector<16xf32>,
        tpu.vector_store %arg14[%parallel_loop3A_475, %parallel_loop3A_476], %parallel_loop3A_470 {strides = array<i32>} : memref<96x512xf32, #tpu.memory_space<vmem>>, vector<16xf32>,
        %parallel_loop3A_478 = tpu.vector_load_idx %arg9[%parallel_loop3A_450, %parallel_loop3A_453] : memref<16x512xf32, #tpu.memory_space<vmem>>[vector<16xi32>, vector<16xi32>], vector<16xf32>,
        %parallel_loop3A_479 = arith.constant 3 : i32
        %parallel_loop3A_480 = arith.addi %add3A_318, %parallel_loop3A_479 : i32
        %parallel_loop3A_481 = arith.constant 16 : i32
        %parallel_loop3A_482 = arith.muli %parallel_loop3A_443, %parallel_loop3A_481 : i32
        %parallel_loop3A_483 = arith.index_cast %parallel_loop3A_480 : i32 to index
        %parallel_loop3A_484 = arith.index_cast %parallel_loop3A_482 : i32 to index
        %parallel_loop3A_485 = tpu.vector_load %arg14[%parallel_loop3A_483, %parallel_loop3A_484] {strides = array<i32>} : memref<96x512xf32, #tpu.memory_space<vmem>>, vector<16xf32>,
        tpu.vector_store %arg14[%parallel_loop3A_483, %parallel_loop3A_484], %parallel_loop3A_478 {strides = array<i32>} : memref<96x512xf32, #tpu.memory_space<vmem>>, vector<16xf32>,
      } {sc.loop_unroll_factor = 4 : i64, sc.parallel_access}
      %add3A_365 = arith.constant 8 : i32
      %add3A_366 = arith.addi %add3A_318, %add3A_365 : i32
      %add3A_367 = arith.constant 4 : i32
      %add3A_368 = arith.addi %add3A_366, %add3A_367 : i32
      %le3A = arith.constant 96 : i32
      %le3A_369 = arith.cmpi sle, %add3A_368, %le3A : i32
      %convert_element_type3A = arith.extui %le3A_369 : i1 to i32
      %cond3A = arith.constant 0 : i32
      %cond3A_370 = arith.cmpi ne, %convert_element_type3A, %cond3A : i32
      scf.if %cond3A_370 {
        %add3A_443 = arith.constant 8 : i32
        %add3A_444 = arith.addi %add3A_318, %add3A_443 : i32
        %add3A_445 = arith.constant 0 : i32
        %add3A_446 = arith.addi %add3A_444, %add3A_445 : i32
        %mul3A_447 = arith.constant 512 : i32
        %mul3A_448 = arith.muli %add3A_446, %mul3A_447 : i32
        %mul3A_449 = arith.constant 16 : i32
        %mul3A_450 = arith.muli %add3A, %mul3A_449 : i32
        %add3A_451 = arith.addi %mul3A_448, %mul3A_450 : i32
        %dma_start3A_452 = arith.constant 0 : i32
        %dma_start3A_453 = tpu.memref_slice %arg2[%add3A_451, %dma_start3A_452] : memref<49152x512xf32, #tpu.memory_space<hbm>> -> memref<16x512xf32, #tpu.memory_space<hbm>>
        %dma_start3A_454 = arith.constant 0 : i32
        %dma_start3A_455 = tpu.memref_slice %arg2[%add3A_451, %dma_start3A_454] : memref<49152x512xf32, #tpu.memory_space<hbm>> -> memref<16x512xf32, #tpu.memory_space<hbm>>
        tpu.enqueue_dma source(%dma_start3A_455 : memref<16x512xf32, #tpu.memory_space<hbm>>) target(%arg6 : memref<16x512xf32, #tpu.memory_space<vmem>>) target_semaphore(%arg15 : memref<!tpu.dma_semaphore, #tpu.memory_space<semaphore_mem>>)
        %add3A_456 = arith.constant 8 : i32
        %add3A_457 = arith.addi %add3A_318, %add3A_456 : i32
        %add3A_458 = arith.constant 1 : i32
        %add3A_459 = arith.addi %add3A_457, %add3A_458 : i32
        %mul3A_460 = arith.constant 512 : i32
        %mul3A_461 = arith.muli %add3A_459, %mul3A_460 : i32
        %mul3A_462 = arith.constant 16 : i32
        %mul3A_463 = arith.muli %add3A, %mul3A_462 : i32
        %add3A_464 = arith.addi %mul3A_461, %mul3A_463 : i32
        %dma_start3A_465 = arith.constant 0 : i32
        %dma_start3A_466 = tpu.memref_slice %arg2[%add3A_464, %dma_start3A_465] : memref<49152x512xf32, #tpu.memory_space<hbm>> -> memref<16x512xf32, #tpu.memory_space<hbm>>
        %dma_start3A_467 = arith.constant 0 : i32
        %dma_start3A_468 = tpu.memref_slice %arg2[%add3A_464, %dma_start3A_467] : memref<49152x512xf32, #tpu.memory_space<hbm>> -> memref<16x512xf32, #tpu.memory_space<hbm>>
        tpu.enqueue_dma source(%dma_start3A_468 : memref<16x512xf32, #tpu.memory_space<hbm>>) target(%arg7 : memref<16x512xf32, #tpu.memory_space<vmem>>) target_semaphore(%arg15 : memref<!tpu.dma_semaphore, #tpu.memory_space<semaphore_mem>>)
        %add3A_469 = arith.constant 8 : i32
        %add3A_470 = arith.addi %add3A_318, %add3A_469 : i32
        %add3A_471 = arith.constant 2 : i32
        %add3A_472 = arith.addi %add3A_470, %add3A_471 : i32
        %mul3A_473 = arith.constant 512 : i32
        %mul3A_474 = arith.muli %add3A_472, %mul3A_473 : i32
        %mul3A_475 = arith.constant 16 : i32
        %mul3A_476 = arith.muli %add3A, %mul3A_475 : i32
        %add3A_477 = arith.addi %mul3A_474, %mul3A_476 : i32
        %dma_start3A_478 = arith.constant 0 : i32
        %dma_start3A_479 = tpu.memref_slice %arg2[%add3A_477, %dma_start3A_478] : memref<49152x512xf32, #tpu.memory_space<hbm>> -> memref<16x512xf32, #tpu.memory_space<hbm>>
        %dma_start3A_480 = arith.constant 0 : i32
        %dma_start3A_481 = tpu.memref_slice %arg2[%add3A_477, %dma_start3A_480] : memref<49152x512xf32, #tpu.memory_space<hbm>> -> memref<16x512xf32, #tpu.memory_space<hbm>>
        tpu.enqueue_dma source(%dma_start3A_481 : memref<16x512xf32, #tpu.memory_space<hbm>>) target(%arg8 : memref<16x512xf32, #tpu.memory_space<vmem>>) target_semaphore(%arg15 : memref<!tpu.dma_semaphore, #tpu.memory_space<semaphore_mem>>)
        %add3A_482 = arith.constant 8 : i32
        %add3A_483 = arith.addi %add3A_318, %add3A_482 : i32
        %add3A_484 = arith.constant 3 : i32
        %add3A_485 = arith.addi %add3A_483, %add3A_484 : i32
        %mul3A_486 = arith.constant 512 : i32
        %mul3A_487 = arith.muli %add3A_485, %mul3A_486 : i32
        %mul3A_488 = arith.constant 16 : i32
        %mul3A_489 = arith.muli %add3A, %mul3A_488 : i32
        %add3A_490 = arith.addi %mul3A_487, %mul3A_489 : i32
        %dma_start3A_491 = arith.constant 0 : i32
        %dma_start3A_492 = tpu.memref_slice %arg2[%add3A_490, %dma_start3A_491] : memref<49152x512xf32, #tpu.memory_space<hbm>> -> memref<16x512xf32, #tpu.memory_space<hbm>>
        %dma_start3A_493 = arith.constant 0 : i32
        %dma_start3A_494 = tpu.memref_slice %arg2[%add3A_490, %dma_start3A_493] : memref<49152x512xf32, #tpu.memory_space<hbm>> -> memref<16x512xf32, #tpu.memory_space<hbm>>
        tpu.enqueue_dma source(%dma_start3A_494 : memref<16x512xf32, #tpu.memory_space<hbm>>) target(%arg9 : memref<16x512xf32, #tpu.memory_space<vmem>>) target_semaphore(%arg15 : memref<!tpu.dma_semaphore, #tpu.memory_space<semaphore_mem>>)
      } else {
      }
      %dma_start3A_371 = arith.constant 0 : i32
      %dma_start3A_372 = tpu.memref_slice %arg14[%add3A_318, %dma_start3A_371] : memref<96x512xf32, #tpu.memory_space<vmem>> -> memref<4x512xf32, #tpu.memory_space<vmem>>
      %dma_start3A_373 = tpu.memref_slice %arg4[%add3A_318, %mul3A_2] : memref<96x16384xf32, #tpu.memory_space<hbm>> -> memref<4x512xf32, #tpu.memory_space<hbm>>
      %dma_start3A_374 = tpu.memref_slice %arg4[%add3A_318, %mul3A_2] : memref<96x16384xf32, #tpu.memory_space<hbm>> -> memref<4x512xf32, #tpu.memory_space<hbm>>
      %dma_start3A_375 = arith.constant 0 : i32
      %dma_start3A_376 = tpu.memref_slice %arg14[%add3A_318, %dma_start3A_375] : memref<96x512xf32, #tpu.memory_space<vmem>> -> memref<4x512xf32, #tpu.memory_space<vmem>>
      tpu.enqueue_dma source(%dma_start3A_376 : memref<4x512xf32, #tpu.memory_space<vmem>>) target(%dma_start3A_374 : memref<4x512xf32, #tpu.memory_space<hbm>>) target_semaphore(%arg16 : memref<!tpu.dma_semaphore, #tpu.memory_space<semaphore_mem>>)
      %mul3A_377 = arith.constant 8 : i32
      %mul3A_378 = arith.muli %scan3A_314, %mul3A_377 : i32
      %add3A_379 = arith.constant 4 : i32
      %add3A_380 = arith.addi %mul3A_378, %add3A_379 : i32
      %add3A_381 = arith.constant 0 : i32
      %add3A_382 = arith.addi %add3A_380, %add3A_381 : i32
      %mul3A_383 = arith.constant 512 : i32
      %mul3A_384 = arith.muli %add3A_382, %mul3A_383 : i32
      %mul3A_385 = arith.constant 16 : i32
      %mul3A_386 = arith.muli %add3A, %mul3A_385 : i32
      %add3A_387 = arith.addi %mul3A_384, %mul3A_386 : i32
      %dma_wait3A_388 = arith.constant 0 : i32
      %dma_wait3A_389 = tpu.memref_slice %arg2[%add3A_387, %dma_wait3A_388] : memref<49152x512xf32, #tpu.memory_space<hbm>> -> memref<16x512xf32, #tpu.memory_space<hbm>>
      %dma_wait3A_390 = arith.constant 0 : i32
      %dma_wait3A_391 = tpu.memref_slice %arg2[%add3A_387, %dma_wait3A_390] : memref<49152x512xf32, #tpu.memory_space<hbm>> -> memref<16x512xf32, #tpu.memory_space<hbm>>
      tpu.wait_dma2 semaphore(%arg15 : memref<!tpu.dma_semaphore, #tpu.memory_space<semaphore_mem>>) src(%dma_wait3A_391 : memref<16x512xf32, #tpu.memory_space<hbm>>) dst(%arg10 : memref<16x512xf32, #tpu.memory_space<vmem>>)
      %add3A_392 = arith.constant 1 : i32
      %add3A_393 = arith.addi %add3A_380, %add3A_392 : i32
      %mul3A_394 = arith.constant 512 : i32
      %mul3A_395 = arith.muli %add3A_393, %mul3A_394 : i32
      %mul3A_396 = arith.constant 16 : i32
      %mul3A_397 = arith.muli %add3A, %mul3A_396 : i32
      %add3A_398 = arith.addi %mul3A_395, %mul3A_397 : i32
      %dma_wait3A_399 = arith.constant 0 : i32
      %dma_wait3A_400 = tpu.memref_slice %arg2[%add3A_398, %dma_wait3A_399] : memref<49152x512xf32, #tpu.memory_space<hbm>> -> memref<16x512xf32, #tpu.memory_space<hbm>>
      %dma_wait3A_401 = arith.constant 0 : i32
      %dma_wait3A_402 = tpu.memref_slice %arg2[%add3A_398, %dma_wait3A_401] : memref<49152x512xf32, #tpu.memory_space<hbm>> -> memref<16x512xf32, #tpu.memory_space<hbm>>
      tpu.wait_dma2 semaphore(%arg15 : memref<!tpu.dma_semaphore, #tpu.memory_space<semaphore_mem>>) src(%dma_wait3A_402 : memref<16x512xf32, #tpu.memory_space<hbm>>) dst(%arg11 : memref<16x512xf32, #tpu.memory_space<vmem>>)
      %add3A_403 = arith.constant 2 : i32
      %add3A_404 = arith.addi %add3A_380, %add3A_403 : i32
      %mul3A_405 = arith.constant 512 : i32
      %mul3A_406 = arith.muli %add3A_404, %mul3A_405 : i32
      %mul3A_407 = arith.constant 16 : i32
      %mul3A_408 = arith.muli %add3A, %mul3A_407 : i32
      %add3A_409 = arith.addi %mul3A_406, %mul3A_408 : i32
      %dma_wait3A_410 = arith.constant 0 : i32
      %dma_wait3A_411 = tpu.memref_slice %arg2[%add3A_409, %dma_wait3A_410] : memref<49152x512xf32, #tpu.memory_space<hbm>> -> memref<16x512xf32, #tpu.memory_space<hbm>>
      %dma_wait3A_412 = arith.constant 0 : i32
      %dma_wait3A_413 = tpu.memref_slice %arg2[%add3A_409, %dma_wait3A_412] : memref<49152x512xf32, #tpu.memory_space<hbm>> -> memref<16x512xf32, #tpu.memory_space<hbm>>
      tpu.wait_dma2 semaphore(%arg15 : memref<!tpu.dma_semaphore, #tpu.memory_space<semaphore_mem>>) src(%dma_wait3A_413 : memref<16x512xf32, #tpu.memory_space<hbm>>) dst(%arg12 : memref<16x512xf32, #tpu.memory_space<vmem>>)
      %add3A_414 = arith.constant 3 : i32
      %add3A_415 = arith.addi %add3A_380, %add3A_414 : i32
      %mul3A_416 = arith.constant 512 : i32
      %mul3A_417 = arith.muli %add3A_415, %mul3A_416 : i32
      %mul3A_418 = arith.constant 16 : i32
      %mul3A_419 = arith.muli %add3A, %mul3A_418 : i32
      %add3A_420 = arith.addi %mul3A_417, %mul3A_419 : i32
      %dma_wait3A_421 = arith.constant 0 : i32
      %dma_wait3A_422 = tpu.memref_slice %arg2[%add3A_420, %dma_wait3A_421] : memref<49152x512xf32, #tpu.memory_space<hbm>> -> memref<16x512xf32, #tpu.memory_space<hbm>>
      %dma_wait3A_423 = arith.constant 0 : i32
      %dma_wait3A_424 = tpu.memref_slice %arg2[%add3A_420, %dma_wait3A_423] : memref<49152x512xf32, #tpu.memory_space<hbm>> -> memref<16x512xf32, #tpu.memory_space<hbm>>
      tpu.wait_dma2 semaphore(%arg15 : memref<!tpu.dma_semaphore, #tpu.memory_space<semaphore_mem>>) src(%dma_wait3A_424 : memref<16x512xf32, #tpu.memory_space<hbm>>) dst(%arg13 : memref<16x512xf32, #tpu.memory_space<vmem>>)
      %parallel_loop3A_425 = arith.constant 0 : i32
      %parallel_loop3A_426 = arith.constant 32 : i32
      %parallel_loop3A_427 = arith.constant 1 : i32
      scf.for %parallel_loop3A_443 = %parallel_loop3A_425 to %parallel_loop3A_426 step %parallel_loop3A_427  : i32 {
        %parallel_loop3A_444 = arith.constant 16 : i32
        %parallel_loop3A_445 = arith.muli %parallel_loop3A_443, %parallel_loop3A_444 : i32
        %parallel_loop3A_446 = arith.index_cast %parallel_loop3A_445 : i32 to index
        %parallel_loop3A_447 = tpu.vector_load %arg5[%parallel_loop3A_446] {strides = array<i32>} : memref<512xi32, #tpu.memory_space<vmem>>, vector<16xi32>,
        %parallel_loop3A_448 = arith.constant 9 : i32
        %parallel_loop3A_449 = vector.broadcast %parallel_loop3A_448 : i32 to vector<16xi32>
        %parallel_loop3A_450 = arith.shrsi %parallel_loop3A_447, %parallel_loop3A_449 : vector<16xi32>
        %parallel_loop3A_451 = arith.constant 511 : i32
        %parallel_loop3A_452 = vector.broadcast %parallel_loop3A_451 : i32 to vector<16xi32>
        %parallel_loop3A_453 = arith.andi %parallel_loop3A_447, %parallel_loop3A_452 : vector<16xi32>
        %parallel_loop3A_454 = tpu.vector_load_idx %arg10[%parallel_loop3A_450, %parallel_loop3A_453] : memref<16x512xf32, #tpu.memory_space<vmem>>[vector<16xi32>, vector<16xi32>], vector<16xf32>,
        %parallel_loop3A_455 = arith.constant 0 : i32
        %parallel_loop3A_456 = arith.addi %add3A_380, %parallel_loop3A_455 : i32
        %parallel_loop3A_457 = arith.constant 16 : i32
        %parallel_loop3A_458 = arith.muli %parallel_loop3A_443, %parallel_loop3A_457 : i32
        %parallel_loop3A_459 = arith.index_cast %parallel_loop3A_456 : i32 to index
        %parallel_loop3A_460 = arith.index_cast %parallel_loop3A_458 : i32 to index
        %parallel_loop3A_461 = tpu.vector_load %arg14[%parallel_loop3A_459, %parallel_loop3A_460] {strides = array<i32>} : memref<96x512xf32, #tpu.memory_space<vmem>>, vector<16xf32>,
        tpu.vector_store %arg14[%parallel_loop3A_459, %parallel_loop3A_460], %parallel_loop3A_454 {strides = array<i32>} : memref<96x512xf32, #tpu.memory_space<vmem>>, vector<16xf32>,
        %parallel_loop3A_462 = tpu.vector_load_idx %arg11[%parallel_loop3A_450, %parallel_loop3A_453] : memref<16x512xf32, #tpu.memory_space<vmem>>[vector<16xi32>, vector<16xi32>], vector<16xf32>,
        %parallel_loop3A_463 = arith.constant 1 : i32
        %parallel_loop3A_464 = arith.addi %add3A_380, %parallel_loop3A_463 : i32
        %parallel_loop3A_465 = arith.constant 16 : i32
        %parallel_loop3A_466 = arith.muli %parallel_loop3A_443, %parallel_loop3A_465 : i32
        %parallel_loop3A_467 = arith.index_cast %parallel_loop3A_464 : i32 to index
        %parallel_loop3A_468 = arith.index_cast %parallel_loop3A_466 : i32 to index
        %parallel_loop3A_469 = tpu.vector_load %arg14[%parallel_loop3A_467, %parallel_loop3A_468] {strides = array<i32>} : memref<96x512xf32, #tpu.memory_space<vmem>>, vector<16xf32>,
        tpu.vector_store %arg14[%parallel_loop3A_467, %parallel_loop3A_468], %parallel_loop3A_462 {strides = array<i32>} : memref<96x512xf32, #tpu.memory_space<vmem>>, vector<16xf32>,
        %parallel_loop3A_470 = tpu.vector_load_idx %arg12[%parallel_loop3A_450, %parallel_loop3A_453] : memref<16x512xf32, #tpu.memory_space<vmem>>[vector<16xi32>, vector<16xi32>], vector<16xf32>,
        %parallel_loop3A_471 = arith.constant 2 : i32
        %parallel_loop3A_472 = arith.addi %add3A_380, %parallel_loop3A_471 : i32
        %parallel_loop3A_473 = arith.constant 16 : i32
        %parallel_loop3A_474 = arith.muli %parallel_loop3A_443, %parallel_loop3A_473 : i32
        %parallel_loop3A_475 = arith.index_cast %parallel_loop3A_472 : i32 to index
        %parallel_loop3A_476 = arith.index_cast %parallel_loop3A_474 : i32 to index
        %parallel_loop3A_477 = tpu.vector_load %arg14[%parallel_loop3A_475, %parallel_loop3A_476] {strides = array<i32>} : memref<96x512xf32, #tpu.memory_space<vmem>>, vector<16xf32>,
        tpu.vector_store %arg14[%parallel_loop3A_475, %parallel_loop3A_476], %parallel_loop3A_470 {strides = array<i32>} : memref<96x512xf32, #tpu.memory_space<vmem>>, vector<16xf32>,
        %parallel_loop3A_478 = tpu.vector_load_idx %arg13[%parallel_loop3A_450, %parallel_loop3A_453] : memref<16x512xf32, #tpu.memory_space<vmem>>[vector<16xi32>, vector<16xi32>], vector<16xf32>,
        %parallel_loop3A_479 = arith.constant 3 : i32
        %parallel_loop3A_480 = arith.addi %add3A_380, %parallel_loop3A_479 : i32
        %parallel_loop3A_481 = arith.constant 16 : i32
        %parallel_loop3A_482 = arith.muli %parallel_loop3A_443, %parallel_loop3A_481 : i32
        %parallel_loop3A_483 = arith.index_cast %parallel_loop3A_480 : i32 to index
        %parallel_loop3A_484 = arith.index_cast %parallel_loop3A_482 : i32 to index
        %parallel_loop3A_485 = tpu.vector_load %arg14[%parallel_loop3A_483, %parallel_loop3A_484] {strides = array<i32>} : memref<96x512xf32, #tpu.memory_space<vmem>>, vector<16xf32>,
        tpu.vector_store %arg14[%parallel_loop3A_483, %parallel_loop3A_484], %parallel_loop3A_478 {strides = array<i32>} : memref<96x512xf32, #tpu.memory_space<vmem>>, vector<16xf32>,
      } {sc.loop_unroll_factor = 4 : i64, sc.parallel_access}
      %add3A_428 = arith.constant 8 : i32
      %add3A_429 = arith.addi %add3A_380, %add3A_428 : i32
      %add3A_430 = arith.constant 4 : i32
      %add3A_431 = arith.addi %add3A_429, %add3A_430 : i32
      %le3A_432 = arith.constant 96 : i32
      %le3A_433 = arith.cmpi sle, %add3A_431, %le3A_432 : i32
      %convert_element_type3A_434 = arith.extui %le3A_433 : i1 to i32
      %cond3A_435 = arith.constant 0 : i32
      %cond3A_436 = arith.cmpi ne, %convert_element_type3A_434, %cond3A_435 : i32
      scf.if %cond3A_436 {
        %add3A_443 = arith.constant 8 : i32
        %add3A_444 = arith.addi %add3A_380, %add3A_443 : i32
        %add3A_445 = arith.constant 0 : i32
        %add3A_446 = arith.addi %add3A_444, %add3A_445 : i32
        %mul3A_447 = arith.constant 512 : i32
        %mul3A_448 = arith.muli %add3A_446, %mul3A_447 : i32
        %mul3A_449 = arith.constant 16 : i32
        %mul3A_450 = arith.muli %add3A, %mul3A_449 : i32
        %add3A_451 = arith.addi %mul3A_448, %mul3A_450 : i32
        %dma_start3A_452 = arith.constant 0 : i32
        %dma_start3A_453 = tpu.memref_slice %arg2[%add3A_451, %dma_start3A_452] : memref<49152x512xf32, #tpu.memory_space<hbm>> -> memref<16x512xf32, #tpu.memory_space<hbm>>
        %dma_start3A_454 = arith.constant 0 : i32
        %dma_start3A_455 = tpu.memref_slice %arg2[%add3A_451, %dma_start3A_454] : memref<49152x512xf32, #tpu.memory_space<hbm>> -> memref<16x512xf32, #tpu.memory_space<hbm>>
        tpu.enqueue_dma source(%dma_start3A_455 : memref<16x512xf32, #tpu.memory_space<hbm>>) target(%arg10 : memref<16x512xf32, #tpu.memory_space<vmem>>) target_semaphore(%arg15 : memref<!tpu.dma_semaphore, #tpu.memory_space<semaphore_mem>>)
        %add3A_456 = arith.constant 8 : i32
        %add3A_457 = arith.addi %add3A_380, %add3A_456 : i32
        %add3A_458 = arith.constant 1 : i32
        %add3A_459 = arith.addi %add3A_457, %add3A_458 : i32
        %mul3A_460 = arith.constant 512 : i32
        %mul3A_461 = arith.muli %add3A_459, %mul3A_460 : i32
        %mul3A_462 = arith.constant 16 : i32
        %mul3A_463 = arith.muli %add3A, %mul3A_462 : i32
        %add3A_464 = arith.addi %mul3A_461, %mul3A_463 : i32
        %dma_start3A_465 = arith.constant 0 : i32
        %dma_start3A_466 = tpu.memref_slice %arg2[%add3A_464, %dma_start3A_465] : memref<49152x512xf32, #tpu.memory_space<hbm>> -> memref<16x512xf32, #tpu.memory_space<hbm>>
        %dma_start3A_467 = arith.constant 0 : i32
        %dma_start3A_468 = tpu.memref_slice %arg2[%add3A_464, %dma_start3A_467] : memref<49152x512xf32, #tpu.memory_space<hbm>> -> memref<16x512xf32, #tpu.memory_space<hbm>>
        tpu.enqueue_dma source(%dma_start3A_468 : memref<16x512xf32, #tpu.memory_space<hbm>>) target(%arg11 : memref<16x512xf32, #tpu.memory_space<vmem>>) target_semaphore(%arg15 : memref<!tpu.dma_semaphore, #tpu.memory_space<semaphore_mem>>)
        %add3A_469 = arith.constant 8 : i32
        %add3A_470 = arith.addi %add3A_380, %add3A_469 : i32
        %add3A_471 = arith.constant 2 : i32
        %add3A_472 = arith.addi %add3A_470, %add3A_471 : i32
        %mul3A_473 = arith.constant 512 : i32
        %mul3A_474 = arith.muli %add3A_472, %mul3A_473 : i32
        %mul3A_475 = arith.constant 16 : i32
        %mul3A_476 = arith.muli %add3A, %mul3A_475 : i32
        %add3A_477 = arith.addi %mul3A_474, %mul3A_476 : i32
        %dma_start3A_478 = arith.constant 0 : i32
        %dma_start3A_479 = tpu.memref_slice %arg2[%add3A_477, %dma_start3A_478] : memref<49152x512xf32, #tpu.memory_space<hbm>> -> memref<16x512xf32, #tpu.memory_space<hbm>>
        %dma_start3A_480 = arith.constant 0 : i32
        %dma_start3A_481 = tpu.memref_slice %arg2[%add3A_477, %dma_start3A_480] : memref<49152x512xf32, #tpu.memory_space<hbm>> -> memref<16x512xf32, #tpu.memory_space<hbm>>
        tpu.enqueue_dma source(%dma_start3A_481 : memref<16x512xf32, #tpu.memory_space<hbm>>) target(%arg12 : memref<16x512xf32, #tpu.memory_space<vmem>>) target_semaphore(%arg15 : memref<!tpu.dma_semaphore, #tpu.memory_space<semaphore_mem>>)
        %add3A_482 = arith.constant 8 : i32
        %add3A_483 = arith.addi %add3A_380, %add3A_482 : i32
        %add3A_484 = arith.constant 3 : i32
        %add3A_485 = arith.addi %add3A_483, %add3A_484 : i32
        %mul3A_486 = arith.constant 512 : i32
        %mul3A_487 = arith.muli %add3A_485, %mul3A_486 : i32
        %mul3A_488 = arith.constant 16 : i32
        %mul3A_489 = arith.muli %add3A, %mul3A_488 : i32
        %add3A_490 = arith.addi %mul3A_487, %mul3A_489 : i32
        %dma_start3A_491 = arith.constant 0 : i32
        %dma_start3A_492 = tpu.memref_slice %arg2[%add3A_490, %dma_start3A_491] : memref<49152x512xf32, #tpu.memory_space<hbm>> -> memref<16x512xf32, #tpu.memory_space<hbm>>
        %dma_start3A_493 = arith.constant 0 : i32
        %dma_start3A_494 = tpu.memref_slice %arg2[%add3A_490, %dma_start3A_493] : memref<49152x512xf32, #tpu.memory_space<hbm>> -> memref<16x512xf32, #tpu.memory_space<hbm>>
        tpu.enqueue_dma source(%dma_start3A_494 : memref<16x512xf32, #tpu.memory_space<hbm>>) target(%arg13 : memref<16x512xf32, #tpu.memory_space<vmem>>) target_semaphore(%arg15 : memref<!tpu.dma_semaphore, #tpu.memory_space<semaphore_mem>>)
      } else {
      }
      %dma_start3A_437 = arith.constant 0 : i32
      %dma_start3A_438 = tpu.memref_slice %arg14[%add3A_380, %dma_start3A_437] : memref<96x512xf32, #tpu.memory_space<vmem>> -> memref<4x512xf32, #tpu.memory_space<vmem>>
      %dma_start3A_439 = tpu.memref_slice %arg4[%add3A_380, %mul3A_2] : memref<96x16384xf32, #tpu.memory_space<hbm>> -> memref<4x512xf32, #tpu.memory_space<hbm>>
      %dma_start3A_440 = tpu.memref_slice %arg4[%add3A_380, %mul3A_2] : memref<96x16384xf32, #tpu.memory_space<hbm>> -> memref<4x512xf32, #tpu.memory_space<hbm>>
      %dma_start3A_441 = arith.constant 0 : i32
      %dma_start3A_442 = tpu.memref_slice %arg14[%add3A_380, %dma_start3A_441] : memref<96x512xf32, #tpu.memory_space<vmem>> -> memref<4x512xf32, #tpu.memory_space<vmem>>
      tpu.enqueue_dma source(%dma_start3A_442 : memref<4x512xf32, #tpu.memory_space<vmem>>) target(%dma_start3A_440 : memref<4x512xf32, #tpu.memory_space<hbm>>) target_semaphore(%arg16 : memref<!tpu.dma_semaphore, #tpu.memory_space<semaphore_mem>>)
    }
    %scan3A_73 = arith.constant 12 : i32
    %dma_wait3A_74 = arith.constant 0 : i32
    %dma_wait3A_75 = arith.constant 0 : i32
    %dma_wait3A_76 = tpu.memref_slice %arg14[%dma_wait3A_74, %dma_wait3A_75] : memref<96x512xf32, #tpu.memory_space<vmem>> -> memref<4x512xf32, #tpu.memory_space<vmem>>
    %dma_wait3A_77 = arith.constant 0 : i32
    %dma_wait3A_78 = tpu.memref_slice %arg4[%dma_wait3A_77, %mul3A_2] : memref<96x16384xf32, #tpu.memory_space<hbm>> -> memref<4x512xf32, #tpu.memory_space<hbm>>
    %dma_wait3A_79 = arith.constant 0 : i32
    %dma_wait3A_80 = tpu.memref_slice %arg4[%dma_wait3A_79, %mul3A_2] : memref<96x16384xf32, #tpu.memory_space<hbm>> -> memref<4x512xf32, #tpu.memory_space<hbm>>
    %dma_wait3A_81 = arith.constant 0 : i32
    %dma_wait3A_82 = arith.constant 0 : i32
    %dma_wait3A_83 = tpu.memref_slice %arg14[%dma_wait3A_81, %dma_wait3A_82] : memref<96x512xf32, #tpu.memory_space<vmem>> -> memref<4x512xf32, #tpu.memory_space<vmem>>
    tpu.wait_dma2 semaphore(%arg16 : memref<!tpu.dma_semaphore, #tpu.memory_space<semaphore_mem>>) src(%dma_wait3A_83 : memref<4x512xf32, #tpu.memory_space<vmem>>) dst(%dma_wait3A_80 : memref<4x512xf32, #tpu.memory_space<hbm>>)
    %dma_wait3A_84 = arith.constant 4 : i32
    %dma_wait3A_85 = arith.constant 0 : i32
    %dma_wait3A_86 = tpu.memref_slice %arg14[%dma_wait3A_84, %dma_wait3A_85] : memref<96x512xf32, #tpu.memory_space<vmem>> -> memref<4x512xf32, #tpu.memory_space<vmem>>
    %dma_wait3A_87 = arith.constant 4 : i32
    %dma_wait3A_88 = tpu.memref_slice %arg4[%dma_wait3A_87, %mul3A_2] : memref<96x16384xf32, #tpu.memory_space<hbm>> -> memref<4x512xf32, #tpu.memory_space<hbm>>
    %dma_wait3A_89 = arith.constant 4 : i32
    %dma_wait3A_90 = tpu.memref_slice %arg4[%dma_wait3A_89, %mul3A_2] : memref<96x16384xf32, #tpu.memory_space<hbm>> -> memref<4x512xf32, #tpu.memory_space<hbm>>
    %dma_wait3A_91 = arith.constant 4 : i32
    %dma_wait3A_92 = arith.constant 0 : i32
    %dma_wait3A_93 = tpu.memref_slice %arg14[%dma_wait3A_91, %dma_wait3A_92] : memref<96x512xf32, #tpu.memory_space<vmem>> -> memref<4x512xf32, #tpu.memory_space<vmem>>
    tpu.wait_dma2 semaphore(%arg16 : memref<!tpu.dma_semaphore, #tpu.memory_space<semaphore_mem>>) src(%dma_wait3A_93 : memref<4x512xf32, #tpu.memory_space<vmem>>) dst(%dma_wait3A_90 : memref<4x512xf32, #tpu.memory_space<hbm>>)
    %dma_wait3A_94 = arith.constant 8 : i32
    %dma_wait3A_95 = arith.constant 0 : i32
    %dma_wait3A_96 = tpu.memref_slice %arg14[%dma_wait3A_94, %dma_wait3A_95] : memref<96x512xf32, #tpu.memory_space<vmem>> -> memref<4x512xf32, #tpu.memory_space<vmem>>
    %dma_wait3A_97 = arith.constant 8 : i32
    %dma_wait3A_98 = tpu.memref_slice %arg4[%dma_wait3A_97, %mul3A_2] : memref<96x16384xf32, #tpu.memory_space<hbm>> -> memref<4x512xf32, #tpu.memory_space<hbm>>
    %dma_wait3A_99 = arith.constant 8 : i32
    %dma_wait3A_100 = tpu.memref_slice %arg4[%dma_wait3A_99, %mul3A_2] : memref<96x16384xf32, #tpu.memory_space<hbm>> -> memref<4x512xf32, #tpu.memory_space<hbm>>
    %dma_wait3A_101 = arith.constant 8 : i32
    %dma_wait3A_102 = arith.constant 0 : i32
    %dma_wait3A_103 = tpu.memref_slice %arg14[%dma_wait3A_101, %dma_wait3A_102] : memref<96x512xf32, #tpu.memory_space<vmem>> -> memref<4x512xf32, #tpu.memory_space<vmem>>
    tpu.wait_dma2 semaphore(%arg16 : memref<!tpu.dma_semaphore, #tpu.memory_space<semaphore_mem>>) src(%dma_wait3A_103 : memref<4x512xf32, #tpu.memory_space<vmem>>) dst(%dma_wait3A_100 : memref<4x512xf32, #tpu.memory_space<hbm>>)
    %dma_wait3A_104 = arith.constant 12 : i32
    %dma_wait3A_105 = arith.constant 0 : i32
    %dma_wait3A_106 = tpu.memref_slice %arg14[%dma_wait3A_104, %dma_wait3A_105] : memref<96x512xf32, #tpu.memory_space<vmem>> -> memref<4x512xf32, #tpu.memory_space<vmem>>
    %dma_wait3A_107 = arith.constant 12 : i32
    %dma_wait3A_108 = tpu.memref_slice %arg4[%dma_wait3A_107, %mul3A_2] : memref<96x16384xf32, #tpu.memory_space<hbm>> -> memref<4x512xf32, #tpu.memory_space<hbm>>
    %dma_wait3A_109 = arith.constant 12 : i32
    %dma_wait3A_110 = tpu.memref_slice %arg4[%dma_wait3A_109, %mul3A_2] : memref<96x16384xf32, #tpu.memory_space<hbm>> -> memref<4x512xf32, #tpu.memory_space<hbm>>
    %dma_wait3A_111 = arith.constant 12 : i32
    %dma_wait3A_112 = arith.constant 0 : i32
    %dma_wait3A_113 = tpu.memref_slice %arg14[%dma_wait3A_111, %dma_wait3A_112] : memref<96x512xf32, #tpu.memory_space<vmem>> -> memref<4x512xf32, #tpu.memory_space<vmem>>
    tpu.wait_dma2 semaphore(%arg16 : memref<!tpu.dma_semaphore, #tpu.memory_space<semaphore_mem>>) src(%dma_wait3A_113 : memref<4x512xf32, #tpu.memory_space<vmem>>) dst(%dma_wait3A_110 : memref<4x512xf32, #tpu.memory_space<hbm>>)
    %dma_wait3A_114 = arith.constant 16 : i32
    %dma_wait3A_115 = arith.constant 0 : i32
    %dma_wait3A_116 = tpu.memref_slice %arg14[%dma_wait3A_114, %dma_wait3A_115] : memref<96x512xf32, #tpu.memory_space<vmem>> -> memref<4x512xf32, #tpu.memory_space<vmem>>
    %dma_wait3A_117 = arith.constant 16 : i32
    %dma_wait3A_118 = tpu.memref_slice %arg4[%dma_wait3A_117, %mul3A_2] : memref<96x16384xf32, #tpu.memory_space<hbm>> -> memref<4x512xf32, #tpu.memory_space<hbm>>
    %dma_wait3A_119 = arith.constant 16 : i32
    %dma_wait3A_120 = tpu.memref_slice %arg4[%dma_wait3A_119, %mul3A_2] : memref<96x16384xf32, #tpu.memory_space<hbm>> -> memref<4x512xf32, #tpu.memory_space<hbm>>
    %dma_wait3A_121 = arith.constant 16 : i32
    %dma_wait3A_122 = arith.constant 0 : i32
    %dma_wait3A_123 = tpu.memref_slice %arg14[%dma_wait3A_121, %dma_wait3A_122] : memref<96x512xf32, #tpu.memory_space<vmem>> -> memref<4x512xf32, #tpu.memory_space<vmem>>
    tpu.wait_dma2 semaphore(%arg16 : memref<!tpu.dma_semaphore, #tpu.memory_space<semaphore_mem>>) src(%dma_wait3A_123 : memref<4x512xf32, #tpu.memory_space<vmem>>) dst(%dma_wait3A_120 : memref<4x512xf32, #tpu.memory_space<hbm>>)
    %dma_wait3A_124 = arith.constant 20 : i32
    %dma_wait3A_125 = arith.constant 0 : i32
    %dma_wait3A_126 = tpu.memref_slice %arg14[%dma_wait3A_124, %dma_wait3A_125] : memref<96x512xf32, #tpu.memory_space<vmem>> -> memref<4x512xf32, #tpu.memory_space<vmem>>
    %dma_wait3A_127 = arith.constant 20 : i32
    %dma_wait3A_128 = tpu.memref_slice %arg4[%dma_wait3A_127, %mul3A_2] : memref<96x16384xf32, #tpu.memory_space<hbm>> -> memref<4x512xf32, #tpu.memory_space<hbm>>
    %dma_wait3A_129 = arith.constant 20 : i32
    %dma_wait3A_130 = tpu.memref_slice %arg4[%dma_wait3A_129, %mul3A_2] : memref<96x16384xf32, #tpu.memory_space<hbm>> -> memref<4x512xf32, #tpu.memory_space<hbm>>
    %dma_wait3A_131 = arith.constant 20 : i32
    %dma_wait3A_132 = arith.constant 0 : i32
    %dma_wait3A_133 = tpu.memref_slice %arg14[%dma_wait3A_131, %dma_wait3A_132] : memref<96x512xf32, #tpu.memory_space<vmem>> -> memref<4x512xf32, #tpu.memory_space<vmem>>
    tpu.wait_dma2 semaphore(%arg16 : memref<!tpu.dma_semaphore, #tpu.memory_space<semaphore_mem>>) src(%dma_wait3A_133 : memref<4x512xf32, #tpu.memory_space<vmem>>) dst(%dma_wait3A_130 : memref<4x512xf32, #tpu.memory_space<hbm>>)
    %dma_wait3A_134 = arith.constant 24 : i32
    %dma_wait3A_135 = arith.constant 0 : i32
    %dma_wait3A_136 = tpu.memref_slice %arg14[%dma_wait3A_134, %dma_wait3A_135] : memref<96x512xf32, #tpu.memory_space<vmem>> -> memref<4x512xf32, #tpu.memory_space<vmem>>
    %dma_wait3A_137 = arith.constant 24 : i32
    %dma_wait3A_138 = tpu.memref_slice %arg4[%dma_wait3A_137, %mul3A_2] : memref<96x16384xf32, #tpu.memory_space<hbm>> -> memref<4x512xf32, #tpu.memory_space<hbm>>
    %dma_wait3A_139 = arith.constant 24 : i32
    %dma_wait3A_140 = tpu.memref_slice %arg4[%dma_wait3A_139, %mul3A_2] : memref<96x16384xf32, #tpu.memory_space<hbm>> -> memref<4x512xf32, #tpu.memory_space<hbm>>
    %dma_wait3A_141 = arith.constant 24 : i32
    %dma_wait3A_142 = arith.constant 0 : i32
    %dma_wait3A_143 = tpu.memref_slice %arg14[%dma_wait3A_141, %dma_wait3A_142] : memref<96x512xf32, #tpu.memory_space<vmem>> -> memref<4x512xf32, #tpu.memory_space<vmem>>
    tpu.wait_dma2 semaphore(%arg16 : memref<!tpu.dma_semaphore, #tpu.memory_space<semaphore_mem>>) src(%dma_wait3A_143 : memref<4x512xf32, #tpu.memory_space<vmem>>) dst(%dma_wait3A_140 : memref<4x512xf32, #tpu.memory_space<hbm>>)
    %dma_wait3A_144 = arith.constant 28 : i32
    %dma_wait3A_145 = arith.constant 0 : i32
    %dma_wait3A_146 = tpu.memref_slice %arg14[%dma_wait3A_144, %dma_wait3A_145] : memref<96x512xf32, #tpu.memory_space<vmem>> -> memref<4x512xf32, #tpu.memory_space<vmem>>
    %dma_wait3A_147 = arith.constant 28 : i32
    %dma_wait3A_148 = tpu.memref_slice %arg4[%dma_wait3A_147, %mul3A_2] : memref<96x16384xf32, #tpu.memory_space<hbm>> -> memref<4x512xf32, #tpu.memory_space<hbm>>
    %dma_wait3A_149 = arith.constant 28 : i32
    %dma_wait3A_150 = tpu.memref_slice %arg4[%dma_wait3A_149, %mul3A_2] : memref<96x16384xf32, #tpu.memory_space<hbm>> -> memref<4x512xf32, #tpu.memory_space<hbm>>
    %dma_wait3A_151 = arith.constant 28 : i32
    %dma_wait3A_152 = arith.constant 0 : i32
    %dma_wait3A_153 = tpu.memref_slice %arg14[%dma_wait3A_151, %dma_wait3A_152] : memref<96x512xf32, #tpu.memory_space<vmem>> -> memref<4x512xf32, #tpu.memory_space<vmem>>
    tpu.wait_dma2 semaphore(%arg16 : memref<!tpu.dma_semaphore, #tpu.memory_space<semaphore_mem>>) src(%dma_wait3A_153 : memref<4x512xf32, #tpu.memory_space<vmem>>) dst(%dma_wait3A_150 : memref<4x512xf32, #tpu.memory_space<hbm>>)
    %dma_wait3A_154 = arith.constant 32 : i32
    %dma_wait3A_155 = arith.constant 0 : i32
    %dma_wait3A_156 = tpu.memref_slice %arg14[%dma_wait3A_154, %dma_wait3A_155] : memref<96x512xf32, #tpu.memory_space<vmem>> -> memref<4x512xf32, #tpu.memory_space<vmem>>
    %dma_wait3A_157 = arith.constant 32 : i32
    %dma_wait3A_158 = tpu.memref_slice %arg4[%dma_wait3A_157, %mul3A_2] : memref<96x16384xf32, #tpu.memory_space<hbm>> -> memref<4x512xf32, #tpu.memory_space<hbm>>
    %dma_wait3A_159 = arith.constant 32 : i32
    %dma_wait3A_160 = tpu.memref_slice %arg4[%dma_wait3A_159, %mul3A_2] : memref<96x16384xf32, #tpu.memory_space<hbm>> -> memref<4x512xf32, #tpu.memory_space<hbm>>
    %dma_wait3A_161 = arith.constant 32 : i32
    %dma_wait3A_162 = arith.constant 0 : i32
    %dma_wait3A_163 = tpu.memref_slice %arg14[%dma_wait3A_161, %dma_wait3A_162] : memref<96x512xf32, #tpu.memory_space<vmem>> -> memref<4x512xf32, #tpu.memory_space<vmem>>
    tpu.wait_dma2 semaphore(%arg16 : memref<!tpu.dma_semaphore, #tpu.memory_space<semaphore_mem>>) src(%dma_wait3A_163 : memref<4x512xf32, #tpu.memory_space<vmem>>) dst(%dma_wait3A_160 : memref<4x512xf32, #tpu.memory_space<hbm>>)
    %dma_wait3A_164 = arith.constant 36 : i32
    %dma_wait3A_165 = arith.constant 0 : i32
    %dma_wait3A_166 = tpu.memref_slice %arg14[%dma_wait3A_164, %dma_wait3A_165] : memref<96x512xf32, #tpu.memory_space<vmem>> -> memref<4x512xf32, #tpu.memory_space<vmem>>
    %dma_wait3A_167 = arith.constant 36 : i32
    %dma_wait3A_168 = tpu.memref_slice %arg4[%dma_wait3A_167, %mul3A_2] : memref<96x16384xf32, #tpu.memory_space<hbm>> -> memref<4x512xf32, #tpu.memory_space<hbm>>
    %dma_wait3A_169 = arith.constant 36 : i32
    %dma_wait3A_170 = tpu.memref_slice %arg4[%dma_wait3A_169, %mul3A_2] : memref<96x16384xf32, #tpu.memory_space<hbm>> -> memref<4x512xf32, #tpu.memory_space<hbm>>
    %dma_wait3A_171 = arith.constant 36 : i32
    %dma_wait3A_172 = arith.constant 0 : i32
    %dma_wait3A_173 = tpu.memref_slice %arg14[%dma_wait3A_171, %dma_wait3A_172] : memref<96x512xf32, #tpu.memory_space<vmem>> -> memref<4x512xf32, #tpu.memory_space<vmem>>
    tpu.wait_dma2 semaphore(%arg16 : memref<!tpu.dma_semaphore, #tpu.memory_space<semaphore_mem>>) src(%dma_wait3A_173 : memref<4x512xf32, #tpu.memory_space<vmem>>) dst(%dma_wait3A_170 : memref<4x512xf32, #tpu.memory_space<hbm>>)
    %dma_wait3A_174 = arith.constant 40 : i32
    %dma_wait3A_175 = arith.constant 0 : i32
    %dma_wait3A_176 = tpu.memref_slice %arg14[%dma_wait3A_174, %dma_wait3A_175] : memref<96x512xf32, #tpu.memory_space<vmem>> -> memref<4x512xf32, #tpu.memory_space<vmem>>
    %dma_wait3A_177 = arith.constant 40 : i32
    %dma_wait3A_178 = tpu.memref_slice %arg4[%dma_wait3A_177, %mul3A_2] : memref<96x16384xf32, #tpu.memory_space<hbm>> -> memref<4x512xf32, #tpu.memory_space<hbm>>
    %dma_wait3A_179 = arith.constant 40 : i32
    %dma_wait3A_180 = tpu.memref_slice %arg4[%dma_wait3A_179, %mul3A_2] : memref<96x16384xf32, #tpu.memory_space<hbm>> -> memref<4x512xf32, #tpu.memory_space<hbm>>
    %dma_wait3A_181 = arith.constant 40 : i32
    %dma_wait3A_182 = arith.constant 0 : i32
    %dma_wait3A_183 = tpu.memref_slice %arg14[%dma_wait3A_181, %dma_wait3A_182] : memref<96x512xf32, #tpu.memory_space<vmem>> -> memref<4x512xf32, #tpu.memory_space<vmem>>
    tpu.wait_dma2 semaphore(%arg16 : memref<!tpu.dma_semaphore, #tpu.memory_space<semaphore_mem>>) src(%dma_wait3A_183 : memref<4x512xf32, #tpu.memory_space<vmem>>) dst(%dma_wait3A_180 : memref<4x512xf32, #tpu.memory_space<hbm>>)
    %dma_wait3A_184 = arith.constant 44 : i32
    %dma_wait3A_185 = arith.constant 0 : i32
    %dma_wait3A_186 = tpu.memref_slice %arg14[%dma_wait3A_184, %dma_wait3A_185] : memref<96x512xf32, #tpu.memory_space<vmem>> -> memref<4x512xf32, #tpu.memory_space<vmem>>
    %dma_wait3A_187 = arith.constant 44 : i32
    %dma_wait3A_188 = tpu.memref_slice %arg4[%dma_wait3A_187, %mul3A_2] : memref<96x16384xf32, #tpu.memory_space<hbm>> -> memref<4x512xf32, #tpu.memory_space<hbm>>
    %dma_wait3A_189 = arith.constant 44 : i32
    %dma_wait3A_190 = tpu.memref_slice %arg4[%dma_wait3A_189, %mul3A_2] : memref<96x16384xf32, #tpu.memory_space<hbm>> -> memref<4x512xf32, #tpu.memory_space<hbm>>
    %dma_wait3A_191 = arith.constant 44 : i32
    %dma_wait3A_192 = arith.constant 0 : i32
    %dma_wait3A_193 = tpu.memref_slice %arg14[%dma_wait3A_191, %dma_wait3A_192] : memref<96x512xf32, #tpu.memory_space<vmem>> -> memref<4x512xf32, #tpu.memory_space<vmem>>
    tpu.wait_dma2 semaphore(%arg16 : memref<!tpu.dma_semaphore, #tpu.memory_space<semaphore_mem>>) src(%dma_wait3A_193 : memref<4x512xf32, #tpu.memory_space<vmem>>) dst(%dma_wait3A_190 : memref<4x512xf32, #tpu.memory_space<hbm>>)
    %dma_wait3A_194 = arith.constant 48 : i32
    %dma_wait3A_195 = arith.constant 0 : i32
    %dma_wait3A_196 = tpu.memref_slice %arg14[%dma_wait3A_194, %dma_wait3A_195] : memref<96x512xf32, #tpu.memory_space<vmem>> -> memref<4x512xf32, #tpu.memory_space<vmem>>
    %dma_wait3A_197 = arith.constant 48 : i32
    %dma_wait3A_198 = tpu.memref_slice %arg4[%dma_wait3A_197, %mul3A_2] : memref<96x16384xf32, #tpu.memory_space<hbm>> -> memref<4x512xf32, #tpu.memory_space<hbm>>
    %dma_wait3A_199 = arith.constant 48 : i32
    %dma_wait3A_200 = tpu.memref_slice %arg4[%dma_wait3A_199, %mul3A_2] : memref<96x16384xf32, #tpu.memory_space<hbm>> -> memref<4x512xf32, #tpu.memory_space<hbm>>
    %dma_wait3A_201 = arith.constant 48 : i32
    %dma_wait3A_202 = arith.constant 0 : i32
    %dma_wait3A_203 = tpu.memref_slice %arg14[%dma_wait3A_201, %dma_wait3A_202] : memref<96x512xf32, #tpu.memory_space<vmem>> -> memref<4x512xf32, #tpu.memory_space<vmem>>
    tpu.wait_dma2 semaphore(%arg16 : memref<!tpu.dma_semaphore, #tpu.memory_space<semaphore_mem>>) src(%dma_wait3A_203 : memref<4x512xf32, #tpu.memory_space<vmem>>) dst(%dma_wait3A_200 : memref<4x512xf32, #tpu.memory_space<hbm>>)
    %dma_wait3A_204 = arith.constant 52 : i32
    %dma_wait3A_205 = arith.constant 0 : i32
    %dma_wait3A_206 = tpu.memref_slice %arg14[%dma_wait3A_204, %dma_wait3A_205] : memref<96x512xf32, #tpu.memory_space<vmem>> -> memref<4x512xf32, #tpu.memory_space<vmem>>
    %dma_wait3A_207 = arith.constant 52 : i32
    %dma_wait3A_208 = tpu.memref_slice %arg4[%dma_wait3A_207, %mul3A_2] : memref<96x16384xf32, #tpu.memory_space<hbm>> -> memref<4x512xf32, #tpu.memory_space<hbm>>
    %dma_wait3A_209 = arith.constant 52 : i32
    %dma_wait3A_210 = tpu.memref_slice %arg4[%dma_wait3A_209, %mul3A_2] : memref<96x16384xf32, #tpu.memory_space<hbm>> -> memref<4x512xf32, #tpu.memory_space<hbm>>
    %dma_wait3A_211 = arith.constant 52 : i32
    %dma_wait3A_212 = arith.constant 0 : i32
    %dma_wait3A_213 = tpu.memref_slice %arg14[%dma_wait3A_211, %dma_wait3A_212] : memref<96x512xf32, #tpu.memory_space<vmem>> -> memref<4x512xf32, #tpu.memory_space<vmem>>
    tpu.wait_dma2 semaphore(%arg16 : memref<!tpu.dma_semaphore, #tpu.memory_space<semaphore_mem>>) src(%dma_wait3A_213 : memref<4x512xf32, #tpu.memory_space<vmem>>) dst(%dma_wait3A_210 : memref<4x512xf32, #tpu.memory_space<hbm>>)
    %dma_wait3A_214 = arith.constant 56 : i32
    %dma_wait3A_215 = arith.constant 0 : i32
    %dma_wait3A_216 = tpu.memref_slice %arg14[%dma_wait3A_214, %dma_wait3A_215] : memref<96x512xf32, #tpu.memory_space<vmem>> -> memref<4x512xf32, #tpu.memory_space<vmem>>
    %dma_wait3A_217 = arith.constant 56 : i32
    %dma_wait3A_218 = tpu.memref_slice %arg4[%dma_wait3A_217, %mul3A_2] : memref<96x16384xf32, #tpu.memory_space<hbm>> -> memref<4x512xf32, #tpu.memory_space<hbm>>
    %dma_wait3A_219 = arith.constant 56 : i32
    %dma_wait3A_220 = tpu.memref_slice %arg4[%dma_wait3A_219, %mul3A_2] : memref<96x16384xf32, #tpu.memory_space<hbm>> -> memref<4x512xf32, #tpu.memory_space<hbm>>
    %dma_wait3A_221 = arith.constant 56 : i32
    %dma_wait3A_222 = arith.constant 0 : i32
    %dma_wait3A_223 = tpu.memref_slice %arg14[%dma_wait3A_221, %dma_wait3A_222] : memref<96x512xf32, #tpu.memory_space<vmem>> -> memref<4x512xf32, #tpu.memory_space<vmem>>
    tpu.wait_dma2 semaphore(%arg16 : memref<!tpu.dma_semaphore, #tpu.memory_space<semaphore_mem>>) src(%dma_wait3A_223 : memref<4x512xf32, #tpu.memory_space<vmem>>) dst(%dma_wait3A_220 : memref<4x512xf32, #tpu.memory_space<hbm>>)
    %dma_wait3A_224 = arith.constant 60 : i32
    %dma_wait3A_225 = arith.constant 0 : i32
    %dma_wait3A_226 = tpu.memref_slice %arg14[%dma_wait3A_224, %dma_wait3A_225] : memref<96x512xf32, #tpu.memory_space<vmem>> -> memref<4x512xf32, #tpu.memory_space<vmem>>
    %dma_wait3A_227 = arith.constant 60 : i32
    %dma_wait3A_228 = tpu.memref_slice %arg4[%dma_wait3A_227, %mul3A_2] : memref<96x16384xf32, #tpu.memory_space<hbm>> -> memref<4x512xf32, #tpu.memory_space<hbm>>
    %dma_wait3A_229 = arith.constant 60 : i32
    %dma_wait3A_230 = tpu.memref_slice %arg4[%dma_wait3A_229, %mul3A_2] : memref<96x16384xf32, #tpu.memory_space<hbm>> -> memref<4x512xf32, #tpu.memory_space<hbm>>
    %dma_wait3A_231 = arith.constant 60 : i32
    %dma_wait3A_232 = arith.constant 0 : i32
    %dma_wait3A_233 = tpu.memref_slice %arg14[%dma_wait3A_231, %dma_wait3A_232] : memref<96x512xf32, #tpu.memory_space<vmem>> -> memref<4x512xf32, #tpu.memory_space<vmem>>
    tpu.wait_dma2 semaphore(%arg16 : memref<!tpu.dma_semaphore, #tpu.memory_space<semaphore_mem>>) src(%dma_wait3A_233 : memref<4x512xf32, #tpu.memory_space<vmem>>) dst(%dma_wait3A_230 : memref<4x512xf32, #tpu.memory_space<hbm>>)
    %dma_wait3A_234 = arith.constant 64 : i32
    %dma_wait3A_235 = arith.constant 0 : i32
    %dma_wait3A_236 = tpu.memref_slice %arg14[%dma_wait3A_234, %dma_wait3A_235] : memref<96x512xf32, #tpu.memory_space<vmem>> -> memref<4x512xf32, #tpu.memory_space<vmem>>
    %dma_wait3A_237 = arith.constant 64 : i32
    %dma_wait3A_238 = tpu.memref_slice %arg4[%dma_wait3A_237, %mul3A_2] : memref<96x16384xf32, #tpu.memory_space<hbm>> -> memref<4x512xf32, #tpu.memory_space<hbm>>
    %dma_wait3A_239 = arith.constant 64 : i32
    %dma_wait3A_240 = tpu.memref_slice %arg4[%dma_wait3A_239, %mul3A_2] : memref<96x16384xf32, #tpu.memory_space<hbm>> -> memref<4x512xf32, #tpu.memory_space<hbm>>
    %dma_wait3A_241 = arith.constant 64 : i32
    %dma_wait3A_242 = arith.constant 0 : i32
    %dma_wait3A_243 = tpu.memref_slice %arg14[%dma_wait3A_241, %dma_wait3A_242] : memref<96x512xf32, #tpu.memory_space<vmem>> -> memref<4x512xf32, #tpu.memory_space<vmem>>
    tpu.wait_dma2 semaphore(%arg16 : memref<!tpu.dma_semaphore, #tpu.memory_space<semaphore_mem>>) src(%dma_wait3A_243 : memref<4x512xf32, #tpu.memory_space<vmem>>) dst(%dma_wait3A_240 : memref<4x512xf32, #tpu.memory_space<hbm>>)
    %dma_wait3A_244 = arith.constant 68 : i32
    %dma_wait3A_245 = arith.constant 0 : i32
    %dma_wait3A_246 = tpu.memref_slice %arg14[%dma_wait3A_244, %dma_wait3A_245] : memref<96x512xf32, #tpu.memory_space<vmem>> -> memref<4x512xf32, #tpu.memory_space<vmem>>
    %dma_wait3A_247 = arith.constant 68 : i32
    %dma_wait3A_248 = tpu.memref_slice %arg4[%dma_wait3A_247, %mul3A_2] : memref<96x16384xf32, #tpu.memory_space<hbm>> -> memref<4x512xf32, #tpu.memory_space<hbm>>
    %dma_wait3A_249 = arith.constant 68 : i32
    %dma_wait3A_250 = tpu.memref_slice %arg4[%dma_wait3A_249, %mul3A_2] : memref<96x16384xf32, #tpu.memory_space<hbm>> -> memref<4x512xf32, #tpu.memory_space<hbm>>
    %dma_wait3A_251 = arith.constant 68 : i32
    %dma_wait3A_252 = arith.constant 0 : i32
    %dma_wait3A_253 = tpu.memref_slice %arg14[%dma_wait3A_251, %dma_wait3A_252] : memref<96x512xf32, #tpu.memory_space<vmem>> -> memref<4x512xf32, #tpu.memory_space<vmem>>
    tpu.wait_dma2 semaphore(%arg16 : memref<!tpu.dma_semaphore, #tpu.memory_space<semaphore_mem>>) src(%dma_wait3A_253 : memref<4x512xf32, #tpu.memory_space<vmem>>) dst(%dma_wait3A_250 : memref<4x512xf32, #tpu.memory_space<hbm>>)
    %dma_wait3A_254 = arith.constant 72 : i32
    %dma_wait3A_255 = arith.constant 0 : i32
    %dma_wait3A_256 = tpu.memref_slice %arg14[%dma_wait3A_254, %dma_wait3A_255] : memref<96x512xf32, #tpu.memory_space<vmem>> -> memref<4x512xf32, #tpu.memory_space<vmem>>
    %dma_wait3A_257 = arith.constant 72 : i32
    %dma_wait3A_258 = tpu.memref_slice %arg4[%dma_wait3A_257, %mul3A_2] : memref<96x16384xf32, #tpu.memory_space<hbm>> -> memref<4x512xf32, #tpu.memory_space<hbm>>
    %dma_wait3A_259 = arith.constant 72 : i32
    %dma_wait3A_260 = tpu.memref_slice %arg4[%dma_wait3A_259, %mul3A_2] : memref<96x16384xf32, #tpu.memory_space<hbm>> -> memref<4x512xf32, #tpu.memory_space<hbm>>
    %dma_wait3A_261 = arith.constant 72 : i32
    %dma_wait3A_262 = arith.constant 0 : i32
    %dma_wait3A_263 = tpu.memref_slice %arg14[%dma_wait3A_261, %dma_wait3A_262] : memref<96x512xf32, #tpu.memory_space<vmem>> -> memref<4x512xf32, #tpu.memory_space<vmem>>
    tpu.wait_dma2 semaphore(%arg16 : memref<!tpu.dma_semaphore, #tpu.memory_space<semaphore_mem>>) src(%dma_wait3A_263 : memref<4x512xf32, #tpu.memory_space<vmem>>) dst(%dma_wait3A_260 : memref<4x512xf32, #tpu.memory_space<hbm>>)
    %dma_wait3A_264 = arith.constant 76 : i32
    %dma_wait3A_265 = arith.constant 0 : i32
    %dma_wait3A_266 = tpu.memref_slice %arg14[%dma_wait3A_264, %dma_wait3A_265] : memref<96x512xf32, #tpu.memory_space<vmem>> -> memref<4x512xf32, #tpu.memory_space<vmem>>
    %dma_wait3A_267 = arith.constant 76 : i32
    %dma_wait3A_268 = tpu.memref_slice %arg4[%dma_wait3A_267, %mul3A_2] : memref<96x16384xf32, #tpu.memory_space<hbm>> -> memref<4x512xf32, #tpu.memory_space<hbm>>
    %dma_wait3A_269 = arith.constant 76 : i32
    %dma_wait3A_270 = tpu.memref_slice %arg4[%dma_wait3A_269, %mul3A_2] : memref<96x16384xf32, #tpu.memory_space<hbm>> -> memref<4x512xf32, #tpu.memory_space<hbm>>
    %dma_wait3A_271 = arith.constant 76 : i32
    %dma_wait3A_272 = arith.constant 0 : i32
    %dma_wait3A_273 = tpu.memref_slice %arg14[%dma_wait3A_271, %dma_wait3A_272] : memref<96x512xf32, #tpu.memory_space<vmem>> -> memref<4x512xf32, #tpu.memory_space<vmem>>
    tpu.wait_dma2 semaphore(%arg16 : memref<!tpu.dma_semaphore, #tpu.memory_space<semaphore_mem>>) src(%dma_wait3A_273 : memref<4x512xf32, #tpu.memory_space<vmem>>) dst(%dma_wait3A_270 : memref<4x512xf32, #tpu.memory_space<hbm>>)
    %dma_wait3A_274 = arith.constant 80 : i32
    %dma_wait3A_275 = arith.constant 0 : i32
    %dma_wait3A_276 = tpu.memref_slice %arg14[%dma_wait3A_274, %dma_wait3A_275] : memref<96x512xf32, #tpu.memory_space<vmem>> -> memref<4x512xf32, #tpu.memory_space<vmem>>
    %dma_wait3A_277 = arith.constant 80 : i32
    %dma_wait3A_278 = tpu.memref_slice %arg4[%dma_wait3A_277, %mul3A_2] : memref<96x16384xf32, #tpu.memory_space<hbm>> -> memref<4x512xf32, #tpu.memory_space<hbm>>
    %dma_wait3A_279 = arith.constant 80 : i32
    %dma_wait3A_280 = tpu.memref_slice %arg4[%dma_wait3A_279, %mul3A_2] : memref<96x16384xf32, #tpu.memory_space<hbm>> -> memref<4x512xf32, #tpu.memory_space<hbm>>
    %dma_wait3A_281 = arith.constant 80 : i32
    %dma_wait3A_282 = arith.constant 0 : i32
    %dma_wait3A_283 = tpu.memref_slice %arg14[%dma_wait3A_281, %dma_wait3A_282] : memref<96x512xf32, #tpu.memory_space<vmem>> -> memref<4x512xf32, #tpu.memory_space<vmem>>
    tpu.wait_dma2 semaphore(%arg16 : memref<!tpu.dma_semaphore, #tpu.memory_space<semaphore_mem>>) src(%dma_wait3A_283 : memref<4x512xf32, #tpu.memory_space<vmem>>) dst(%dma_wait3A_280 : memref<4x512xf32, #tpu.memory_space<hbm>>)
    %dma_wait3A_284 = arith.constant 84 : i32
    %dma_wait3A_285 = arith.constant 0 : i32
    %dma_wait3A_286 = tpu.memref_slice %arg14[%dma_wait3A_284, %dma_wait3A_285] : memref<96x512xf32, #tpu.memory_space<vmem>> -> memref<4x512xf32, #tpu.memory_space<vmem>>
    %dma_wait3A_287 = arith.constant 84 : i32
    %dma_wait3A_288 = tpu.memref_slice %arg4[%dma_wait3A_287, %mul3A_2] : memref<96x16384xf32, #tpu.memory_space<hbm>> -> memref<4x512xf32, #tpu.memory_space<hbm>>
    %dma_wait3A_289 = arith.constant 84 : i32
    %dma_wait3A_290 = tpu.memref_slice %arg4[%dma_wait3A_289, %mul3A_2] : memref<96x16384xf32, #tpu.memory_space<hbm>> -> memref<4x512xf32, #tpu.memory_space<hbm>>
    %dma_wait3A_291 = arith.constant 84 : i32
    %dma_wait3A_292 = arith.constant 0 : i32
    %dma_wait3A_293 = tpu.memref_slice %arg14[%dma_wait3A_291, %dma_wait3A_292] : memref<96x512xf32, #tpu.memory_space<vmem>> -> memref<4x512xf32, #tpu.memory_space<vmem>>
    tpu.wait_dma2 semaphore(%arg16 : memref<!tpu.dma_semaphore, #tpu.memory_space<semaphore_mem>>) src(%dma_wait3A_293 : memref<4x512xf32, #tpu.memory_space<vmem>>) dst(%dma_wait3A_290 : memref<4x512xf32, #tpu.memory_space<hbm>>)
    %dma_wait3A_294 = arith.constant 88 : i32
    %dma_wait3A_295 = arith.constant 0 : i32
    %dma_wait3A_296 = tpu.memref_slice %arg14[%dma_wait3A_294, %dma_wait3A_295] : memref<96x512xf32, #tpu.memory_space<vmem>> -> memref<4x512xf32, #tpu.memory_space<vmem>>
    %dma_wait3A_297 = arith.constant 88 : i32
    %dma_wait3A_298 = tpu.memref_slice %arg4[%dma_wait3A_297, %mul3A_2] : memref<96x16384xf32, #tpu.memory_space<hbm>> -> memref<4x512xf32, #tpu.memory_space<hbm>>
    %dma_wait3A_299 = arith.constant 88 : i32
    %dma_wait3A_300 = tpu.memref_slice %arg4[%dma_wait3A_299, %mul3A_2] : memref<96x16384xf32, #tpu.memory_space<hbm>> -> memref<4x512xf32, #tpu.memory_space<hbm>>
    %dma_wait3A_301 = arith.constant 88 : i32
    %dma_wait3A_302 = arith.constant 0 : i32
    %dma_wait3A_303 = tpu.memref_slice %arg14[%dma_wait3A_301, %dma_wait3A_302] : memref<96x512xf32, #tpu.memory_space<vmem>> -> memref<4x512xf32, #tpu.memory_space<vmem>>
    tpu.wait_dma2 semaphore(%arg16 : memref<!tpu.dma_semaphore, #tpu.memory_space<semaphore_mem>>) src(%dma_wait3A_303 : memref<4x512xf32, #tpu.memory_space<vmem>>) dst(%dma_wait3A_300 : memref<4x512xf32, #tpu.memory_space<hbm>>)
    %dma_wait3A_304 = arith.constant 92 : i32
    %dma_wait3A_305 = arith.constant 0 : i32
    %dma_wait3A_306 = tpu.memref_slice %arg14[%dma_wait3A_304, %dma_wait3A_305] : memref<96x512xf32, #tpu.memory_space<vmem>> -> memref<4x512xf32, #tpu.memory_space<vmem>>
    %dma_wait3A_307 = arith.constant 92 : i32
    %dma_wait3A_308 = tpu.memref_slice %arg4[%dma_wait3A_307, %mul3A_2] : memref<96x16384xf32, #tpu.memory_space<hbm>> -> memref<4x512xf32, #tpu.memory_space<hbm>>
    %dma_wait3A_309 = arith.constant 92 : i32
    %dma_wait3A_310 = tpu.memref_slice %arg4[%dma_wait3A_309, %mul3A_2] : memref<96x16384xf32, #tpu.memory_space<hbm>> -> memref<4x512xf32, #tpu.memory_space<hbm>>
    %dma_wait3A_311 = arith.constant 92 : i32
    %dma_wait3A_312 = arith.constant 0 : i32
    %dma_wait3A_313 = tpu.memref_slice %arg14[%dma_wait3A_311, %dma_wait3A_312] : memref<96x512xf32, #tpu.memory_space<vmem>> -> memref<4x512xf32, #tpu.memory_space<vmem>>
    tpu.wait_dma2 semaphore(%arg16 : memref<!tpu.dma_semaphore, #tpu.memory_space<semaphore_mem>>) src(%dma_wait3A_313 : memref<4x512xf32, #tpu.memory_space<vmem>>) dst(%dma_wait3A_310 : memref<4x512xf32, #tpu.memory_space<hbm>>)
    return
  }
}

</mosaic_0001>

<sc_bundles>
// kernel: _run.3.cloned.1.call-start
scs
__scs_entry_jumppad:
0x0: {  	(pc) =	sbr.rel $0x88, $3  }
0x1: {  	(tag) =	ssettag $0x0;
	lr =	simm.s32 $0x1  }
0x2: {  	[smem:$0x3F9F] =	sst lr;
	_ =	strace $0xD0000000  }
0x3: {  	_ = 	snop  }
0x4: {  	_ = 	snop  }
0x5: {  	_ = 	snop  }
0x6: {  	_ = 	snop  }
0x7: {  	_ = 	snop  }
__scs_overlays_trampoline_lowered:
0x8: {  	[smem:$0x3FAE] =	sst s0  }
0x9: {  	[smem:$0x3FAF] =	sst s1  }
0xa: {  	[smem:$0x3FB0] =	sst s2  }
0xb: {  	[smem:$0x3FB1] =	sst s3  }
0xc: {  	[smem:$0x3FB2] =	sst s4  }
0xd: {  	[smem:$0x3FB3] =	sst s5  }
0xe: {  	[smem:$0x3FB4] =	sst s6  }
0xf: {  	[smem:$0x3FB5] =	sst s7  }
0x10: {  	[smem:$0x3FB6] =	sst s8  }
0x11: {  	[smem:$0x3FB7] =	sst s9;
	s0 =	simm.s32 @!p0 $0x0  }
0x12: {  	s1 =	sld [smem:$0x3F9D];
	s0 =	simm.s32 @p0 $0x1  }
0x13: {  	[smem:$0x3FB8] =	sst s0;
	s0 =	simm.s32 @!p1 $0x0  }
0x14: {  	s2 =	sld [smem:$0x3F9C];
	s0 =	simm.s32 @p1 $0x1  }
0x15: {  	[smem:$0x3FB9] =	sst s0;
	s0 =	simm.s32 @!p2 $0x0  }
0x16: {  	s3 =	sld [smem:$0x3FDB];
	s0 =	simm.s32 @p2 $0x1  }
0x17: {  	s4 =	simm.s32 $0x1BF5;
	[smem:$0x3FBB] =	sst s0  }
0x18: {  	s0 =	sld [smem:$0x3F9E];
	_ =	swait.ge [sflag:s4], $0x0  }
0x19: {  	s7 =	sld [smem:$0x3F9F]  }
0x1a: {  	s8 =	sadd.s32 $0xFFFFE003, lr  }
0x1b: {  	s9 =	sadd.s32 $0xFFFFFEF7, lr;
	s5 =	simm.s32 $0xFFFFFFFF;
	p2 =	slt.u32 s8, $0xFFFFF086  }
0x1c: {  	p1 =	slt.u32 s9, $0xF7A;
	s5 =	simm.s32 @!p2 $0x0  }
0x1d: {  	s5 =	simm.s32 @p1 $0x1;
	p0 =	seq.s32 s7, s2  }
0x1e: {  	s7 =	smul.u32 @!p0 $0xF7A, s2;
	p2 =	seq.s32 @!p0 s5, $0x0  }
0x1f: {  	s9 =	smul.u32 $0xF7A, s1;
	s8 =	simm.s32 @!p0 $0x1BF5;
	p2 =	por !p2, p0  }
0x20: {  	[sflag:s8] =	ssyncset.s32 @!p0 $0xFFFFF086;
	s6 =	sadd.s32 @!p0 s3, s7;
	s7 =	simm.s32 @!p0 $0x108  }
0x21: {  	s3 =	sadd.s32 s3, s9;
	s6 =	sadd.s32 @!p0 $0x88, s6;
	s7 =	simm.s32 @p2 $0x1082  }
0x22: {  	[simem:s7], [sflag:s8] =	dma.local @!p0 [hbm:s6], $0xF7A  }
0x23: {  	s9 =	sor.u32 $0xD0000000, s2;
	s6 =	simm.s32 $0x108;
	_ =	swait.ge @!p0 [sflag:s8], $0x0  }
0x24: {  	s3 =	sadd.s32 $0x88, s3;
	s6 =	simm.s32 @!p1 $0x1082;
	[sflag:s4] =	ssyncset.s32 $0xFFFFF086  }
0x25: {  	[simem:s6], [sflag:s4] =	dma.local [hbm:s3], $0xF7A  }
0x26: {  	[smem:$0x3F9F] =	sst s1;
	(tag) =	ssettag s2;
	_ =	strace s9  }
0x27: {  	s1 =	sld [smem:$0x3FAF]  }
0x28: {  	s2 =	sld [smem:$0x3FB0]  }
0x29: {  	s4 =	sld [smem:$0x3FB2]  }
0x2a: {  	p0 =	seq.s32 s5, $0x0;
	s5 =	sld [smem:$0x3FB3]  }
0x2b: {  	s6 =	sld [smem:$0x3FB4]  }
0x2c: {  	s7 =	sld [smem:$0x3FB5]  }
0x2d: {  	s3 =	simm.s32 $0x108;
	s8 =	sld [smem:$0x3FB6]  }
0x2e: {  	s3 =	simm.s32 @!p0 $0x1082;
	s9 =	sld [smem:$0x3FB7]  }
0x2f: {  	lr =	sadd.s32 s0, s3;
	s0 =	sld [smem:$0x3FAE]  }
0x30: {  	s3 =	sld [smem:$0x3FB1]  }
0x31: {  	[smem:$0x3FBA] =	sst s10  }
0x32: {  	s10 =	sld [smem:$0x3FB8];
	_ =	sdelay $0x3  }
0x33: {  	p0 =	seq.s32 s10, $0x1;
	s10 =	sld [smem:$0x3FBA];
	_ =	sdelay $0x3  }
0x34: {  	[smem:$0x3FBA] =	sst s10  }
0x35: {  	s10 =	sld [smem:$0x3FB9];
	_ =	sdelay $0x3  }
0x36: {  	p1 =	seq.s32 s10, $0x1;
	s10 =	sld [smem:$0x3FBA];
	_ =	sdelay $0x3  }
0x37: {  	[smem:$0x3FBA] =	sst s10  }
0x38: {  	s10 =	sld [smem:$0x3FBB]  }
0x39: {  	_ = 	snop;
	(pc) =	sbr.ind lr, $3  }
0x3a: {  	_ = 	snop  }
0x3b: {  	_ = 	snop  }
0x3c: {  	p2 =	seq.s32 s10, $0x1;
	s10 =	sld [smem:$0x3FBA]  }
0x3d: {  	_ =	shalt  }
0x3e: {  	_ =	shalt  }
0x3f: {  	_ =	shalt  }
0x40: {  	_ =	shalt  }
0x41: {  	_ =	shalt  }
0x42: {  	_ =	shalt  }
0x43: {  	_ =	shalt  }
0x44: {  	_ =	shalt  }
0x45: {  	_ =	shalt  }
0x46: {  	_ =	shalt  }
0x47: {  	_ =	shalt  }
0x48: {  	_ =	shalt  }
0x49: {  	_ =	shalt  }
0x4a: {  	_ =	shalt  }
0x4b: {  	_ =	shalt  }
0x4c: {  	_ =	shalt  }
0x4d: {  	_ =	shalt  }
0x4e: {  	_ =	shalt  }
0x4f: {  	_ =	shalt  }
0x50: {  	_ =	shalt  }
0x51: {  	_ =	shalt  }
0x52: {  	_ =	shalt  }
0x53: {  	_ =	shalt  }
0x54: {  	_ =	shalt  }
0x55: {  	_ =	shalt  }
0x56: {  	_ =	shalt  }
0x57: {  	_ =	shalt  }
0x58: {  	_ =	shalt  }
0x59: {  	_ =	shalt  }
0x5a: {  	_ =	shalt  }
0x5b: {  	_ =	shalt  }
0x5c: {  	_ =	shalt  }
0x5d: {  	_ =	shalt  }
0x5e: {  	_ =	shalt  }
0x5f: {  	_ =	shalt  }
0x60: {  	_ =	shalt  }
0x61: {  	_ =	shalt  }
0x62: {  	_ =	shalt  }
0x63: {  	_ =	shalt  }
0x64: {  	_ =	shalt  }
0x65: {  	_ =	shalt  }
0x66: {  	_ =	shalt  }
0x67: {  	_ =	shalt  }
0x68: {  	_ =	shalt  }
0x69: {  	_ =	shalt  }
0x6a: {  	_ =	shalt  }
0x6b: {  	_ =	shalt  }
0x6c: {  	_ =	shalt  }
0x6d: {  	_ =	shalt  }
0x6e: {  	_ =	shalt  }
0x6f: {  	_ =	shalt  }
0x70: {  	_ =	shalt  }
0x71: {  	_ =	shalt  }
0x72: {  	_ =	shalt  }
0x73: {  	_ =	shalt  }
0x74: {  	_ =	shalt  }
0x75: {  	_ =	shalt  }
0x76: {  	_ =	shalt  }
0x77: {  	_ =	shalt  }
0x78: {  	_ =	shalt  }
0x79: {  	_ =	shalt  }
0x7a: {  	_ =	shalt  }
0x7b: {  	_ =	shalt  }
0x7c: {  	_ =	shalt  }
0x7d: {  	_ =	shalt  }
0x7e: {  	_ =	shalt  }
0x7f: {  	_ =	shalt  }
0x80: {  	_ =	shalt  }
0x81: {  	_ =	shalt  }
0x82: {  	_ =	shalt  }
0x83: {  	_ =	shalt  }
0x84: {  	_ =	shalt  }
0x85: {  	_ =	shalt  }
0x86: {  	_ =	shalt  }
0x87: {  	_ =	shalt  }
.Lfunc_end0:
.L_simem_size_0:
called_computation_lowered:
.L_overlay_start_0:
0x88: {  	s2 =	sld [smem:$0x3FD9]  }
0x89: {  	s3 =	sld [smem:$0x3FFE];
	_ =	sdelay $0x1  }
0x8a: {  	s1 =	srdreg.scid  }
0x8b: {  	s0 =	sand.u32 $0x1, s1  }
0x8c: {  	s18 =	sshll.u32 s0, $0xA;
	s2 =	sadd.s32 s3, s2  }
0x8d: {  	s2 =	sadd.s32 s2, s18  }
0x8e: {  	[smem:$0x3FC6] =	sst s2  }
0x8f: {  	_ = 	snop  }
0x90: {  	s2 =	sld [smem:$0x3FC9]  }
0x91: {  	s19 =	sld [smem:$0x3FC8]  }
0x92: {  	s4 =	sld [smem:$0x3FD0];
	(tm) =	ssettm $0x1  }
0x93: {  	s5 =	sld [smem:$0x3FFB];
	_ =	sdelay $0x3  }
0x94: {  	_ =	strace s5  }
0x95: {  	s5 =	sld [smem:$0x3FFC];
	_ =	sdelay $0x3  }
0x96: {  	_ =	strace s5  }
0x97: {  	s5 =	sld [smem:$0x3FFD];
	_ =	sdelay $0x3  }
0x98: {  	_ =	strace s5  }
0x99: {  	_ =	strace $0x8FFFFFFF  }
0x9a: {  	s20 =	sld [smem:$0x3FDB];
	_ =	sdelay $0x1  }
0x9b: {  	s6 =	simm.s32 $_scs_section_size  }
0x9c: {  	s7 =	simm.s32 $_size__tile_overlayer_lowered;
	s8 =	simm.s32 $_tile_overlayer_lowered  }
0x9d: {  	s23 =	simm.s32 $0x1BFF;
	s22 =	sshll.u32 s8, $0x1;
	s5 =	sadd.s32 s6, s20  }
0x9e: {  	s9 =	simm.s32 $0x0;
	s21 =	sshll.u32 s7, $0x1;
	s7 =	sadd.s32 s22, s5  }
0x9f: {  	[timem:s9], [sflag:s23] =	dma.local [hbm:s7], s21  }
0xa0: {  	_ =	swait.ge [sflag:s23], s21  }
0xa1: {  	s6 =	ssub.s32 $0x0, s21;
	[sflag:s23] =	ssyncset.done $0x0  }
0xa2: {  	[sflag:s23] =	ssyncadd.s32 s6;
	_ =	sdelay $0x1  }
0xa3: {  	s24 =	simm.s32 $0x1B8B  }
0xa4: {  	_ =	swait.ge [sflag:s24], $0x1  }
0xa5: {  	[sflag:s24] =	ssyncset.done $0x0  }
0xa6: {  	s25 =	simm.s32 $0x1B8E;
	[sflag:s24] =	ssyncadd.s32 $0xFFFFFFFF  }
0xa7: {  	s26 =	simm.s32 $execute0_lowered;
	[smem:$0x3FD2] =	sst s25  }
0xa8: {  	s6 =	sshll.u32 s26, $0x1;
	_ =	strace $0x80000046;
	[dreg:$0x1] =	wrdreg $0xFFFFFFFF  }
0xa9: {  	s28 =	simm.s32 $_size_execute0_lowered;
	s5 =	sadd.s32 s5, s6;
	[dreg:$0x0] =	wrdreg $0x0  }
0xaa: {  	s6 =	sshll.u32 s28, $0x1;
	[dreg:$0x2] =	wrdreg s5  }
0xab: {  	[dreg:$0x3] =	wrdreg s6  }
0xac: {  	[dreg:$0x4] =	wrdreg $0xC0  }
0xad: {  	_ =	task [dreg:s9], $0x5FFFF  }
0xae: {  	[dreg:$0x1] =	wrdreg $0xFFFFFFFF  }
0xaf: {  	[dreg:$0x0] =	wrdreg $0x60  }
0xb0: {  	[dreg:$0x2] =	wrdreg s2  }
0xb1: {  	[dreg:$0x3] =	wrdreg s19  }
0xb2: {  	[dreg:$0x4] =	wrdreg s4  }
0xb3: {  	[dreg:$0x5] =	wrdreg $0x9  }
0xb4: {  	_ =	task.clear_ibuf [dreg:s9], $0x6FFFF;
	_ =	strace $0x90000046  }
0xb5: {  	s29 =	simm.s32 $0x9;
	_ =	strace $0x80000048  }
0xb6: {  	_ =	swait.ge [sflag:s29], $0x1  }
0xb7: {  	[sflag:s29] =	ssyncadd.s32 $0xFFFFFFFF  }
0xb8: {  	_ =	strace $0x90000048  }
0xb9: {  	_ =	sfence  }
0xba: {  	s30 =	sld [smem:$0x0];
	_ =	sdelay $0x2  }
0xbb: {  	s31 =	sshll.u32 s1, $0xD;
	s1 =	sshrl.u32 s1, $0x2  }
0xbc: {  	s3 =	sand.u32 $0x4000, s31;
	s1 =	sadd.s32 s1, s30  }
0xbd: {  	s0 =	sor.u32 s3, s0;
	s1 =	sshll.u32 s1, $0x11  }
0xbe: {  	s0 =	sor.u32 s1, s0  }
0xbf: {  	s0 =	sadd.s32 $0x8F2B, s0  }
0xc0: {  	[sflag:s0] =	ssyncadd.remote.s32 $0x1  }
0xc1: {  	_ =	sfence.sel $0xFFFF  }
0xc2: {  	[dreg:$0x0] =	wrdreg $0xFFFFFFFF;
	(pc) =	sbr.abs _section_cstart, $3  }
0xc3: {  	[dreg:$0x1] =	wrdreg $0xFFFFFFFF  }
0xc4: {  	_ =	task.clear_ibuf [dreg:s9], $0x2FFFF;
	_ =	strace $0x9FFFFFFF  }
0xc5: {  	(tm) =	ssettm $0x7FFFFFFF  }
tec
execute0_lowered:
.L_overlay_start_1:
0x0: {  	(tag) =	ssettag $0x1  }
0x1: {  	s11 =	rddreg [dreg:$0x0]  }
0x2: {  	s0 =	rddreg [dreg:$0x1]  }
0x3: {  	s6 =	rddreg [dreg:$0x2]  }
0x4: {  	s2 =	srdreg.scid;
	s1 =	stileid.u32  }
0x5: {  	s3 =	simm.s32 $0x0;
	s2 =	sand.u32 $0x1, s2;
	s4 =	sshll.u32 s1, $0x1  }
0x6: {  	[smem:$0x7FF] =	sst s3;
	s25 =	ssub.s32 $0x2, s2;
	s2 =	sor.u32 s2, s4  }
0x7: {  	_ =	strace $0x80000047;
	s4 =	sshll.u32 s2, $0x6;
	s7 =	sshll.u32 s2, $0x9  }
0x8: {  	s9 =	sshll.u32 s2, $0x4;
	[dreg:$0x4] =	wrdreg s7;
	s0 =	sadd.s32 s0, s4  }
0x9: {  	s18 =	sor.u32 $0x1000, s9;
	[dreg:$0x5] =	wrdreg s0  }
0xa: {  	s19 =	sor.u32 $0x1200, s9;
	[dreg:$0xe] =	wrdreg s18  }
0xb: {  	s20 =	sor.u32 $0x1400, s9;
	[dreg:$0xf] =	wrdreg s19  }
0xc: {  	s21 =	sor.u32 $0x1600, s9;
	[dreg:$0x10] =	wrdreg s20  }
0xd: {  	s22 =	sor.u32 $0x1A00, s9;
	[dreg:$0x11] =	wrdreg s21  }
0xe: {  	s26 =	sshll.u32 s2, $0xA;
	s23 =	sor.u32 $0x1C00, s9;
	[dreg:$0x12] =	wrdreg s22  }
0xf: {  	s5 =	sshrl.u32 s25, $0x1;
	s8 =	sadd.s32 s11, s26;
	[dreg:$0x13] =	wrdreg s23  }
0x10: {  	s3 =	ssub.s32 s25, s5;
	s25 =	sadd.s32 $0x40, s6;
	[dreg:$0x6] =	wrdreg s8  }
0x11: {  	s10 =	sadd.s32 $0x8000, s8;
	[dreg:$0x16] =	wrdreg s25  }
0x12: {  	s12 =	sadd.s32 $0x10000, s8;
	[dreg:$0x7] =	wrdreg s10  }
0x13: {  	s13 =	sadd.s32 $0x18000, s8;
	[dreg:$0x8] =	wrdreg s12  }
0x14: {  	s28 =	simm.s32 $0x4200;
	s14 =	sadd.s32 $0x20000, s8;
	[dreg:$0x9] =	wrdreg s13  }
0x15: {  	s29 =	simm.s32 $0x6200;
	s15 =	sadd.s32 $0x28000, s8;
	[dreg:$0xa] =	wrdreg s14  }
0x16: {  	s30 =	simm.s32 $0x8200;
	s16 =	sadd.s32 $0x30000, s8;
	[dreg:$0xb] =	wrdreg s15  }
0x17: {  	s31 =	simm.s32 $0xA200;
	s17 =	sadd.s32 $0x38000, s8;
	[dreg:$0xc] =	wrdreg s16  }
0x18: {  	s2 =	simm.s32 $0xE200;
	s0 =	sor.u32 $0x1E00, s9;
	[dreg:$0xd] =	wrdreg s17  }
0x19: {  	s4 =	simm.s32 $0x0;
	s24 =	sadd.s32 $0x60000, s8;
	[dreg:$0x14] =	wrdreg s0  }
0x1a: {  	s26 =	smax.u32 s3, $0x1;
	s25 =	simm.s32 $0x200;
	[dreg:$0x15] =	wrdreg s24  }
0x1b: {  	[dreg:$0x17] =	wrdreg s26;
	s26 =	simm.s32 $0x2200;
	s0 =	simm.s32 $0xC200  }
.LBB2_1:
0x1c: {  	[dreg:$0x18] =	wrdreg s4  }
0x1d: {  	s1 =	simm.s32 $0x0;
	s3 =	rddreg [dreg:$0x5]  }
0x1e: {  	[tilespmem:s1], [sflag:$0x3] =	stream.linear.gather [hbm4b:s3+s1], $0x200, $0x38;
	[tilespmem:$0x1C200] =	vst v63  }
0x1f: {  	s16 =	rddreg [dreg:$0x6]  }
0x20: {  	[tilespmem:s25], [sflag:$0x1] =	stream.linear.gather [hbm4b:s16+s1], $0x2000, $0x38;
	[tilespmem:$0x1C200] =	vst v63  }
0x21: {  	s17 =	rddreg [dreg:$0x7]  }
0x22: {  	[tilespmem:s26], [sflag:$0x1] =	stream.linear.gather [hbm4b:s17+s1], $0x2000, $0x38;
	[tilespmem:$0x1C200] =	vst v63  }
0x23: {  	s18 =	rddreg [dreg:$0x8]  }
0x24: {  	[tilespmem:s28], [sflag:$0x1] =	stream.linear.gather [hbm4b:s18+s1], $0x2000, $0x38;
	[tilespmem:$0x1C200] =	vst v63  }
0x25: {  	s19 =	rddreg [dreg:$0x9]  }
0x26: {  	[tilespmem:s29], [sflag:$0x1] =	stream.linear.gather [hbm4b:s19+s1], $0x2000, $0x38;
	[tilespmem:$0x1C200] =	vst v63  }
0x27: {  	s20 =	rddreg [dreg:$0xa]  }
0x28: {  	[tilespmem:s30], [sflag:$0x1] =	stream.linear.gather [hbm4b:s20+s1], $0x2000, $0x38;
	[tilespmem:$0x1C200] =	vst v63  }
0x29: {  	s21 =	rddreg [dreg:$0xb]  }
0x2a: {  	[tilespmem:s31], [sflag:$0x1] =	stream.linear.gather [hbm4b:s21+s1], $0x2000, $0x38;
	[tilespmem:$0x1C200] =	vst v63  }
0x2b: {  	s22 =	rddreg [dreg:$0xc]  }
0x2c: {  	[tilespmem:s0], [sflag:$0x1] =	stream.linear.gather [hbm4b:s22+s1], $0x2000, $0x38;
	[tilespmem:$0x1C200] =	vst v63  }
0x2d: {  	s23 =	rddreg [dreg:$0xd];
	s24 =	simm.s32 $0x3  }
0x2e: {  	[tilespmem:s2], [sflag:$0x1] =	stream.linear.gather [hbm4b:s23+s1], $0x2000, $0x38;
	[tilespmem:$0x1C200] =	vst v63  }
0x2f: {  	_ =	swait.ge [sflag:s24], $0x200  }
0x30: {  	[sflag:s24] =	ssyncset.done $0x0  }
0x31: {  	s8 =	simm.s32 $0x0;
	[sflag:s24] =	ssyncadd.s32 $0xFFFFFE00  }
.LBB2_2:
0x32: {  	s1 =	simm.s32 $0x1  }
0x33: {  	_ =	swait.ge [sflag:s1], $0x2000  }
0x34: {  	[sflag:s1] =	ssyncset.done $0x0  }
0x35: {  	[sflag:s1] =	ssyncadd.s32 $0xFFFFE000  }
0x36: {  	_ =	swait.ge [sflag:s1], $0x2000  }
0x37: {  	[sflag:s1] =	ssyncset.done $0x0  }
0x38: {  	[sflag:s1] =	ssyncadd.s32 $0xFFFFE000  }
0x39: {  	_ =	swait.ge [sflag:s1], $0x2000  }
0x3a: {  	[sflag:s1] =	ssyncset.done $0x0  }
0x3b: {  	[sflag:s1] =	ssyncadd.s32 $0xFFFFE000  }
0x3c: {  	_ =	swait.ge [sflag:s1], $0x2000  }
0x3d: {  	[sflag:s1] =	ssyncset.done $0x0  }
0x3e: {  	s3 =	simm.s32 $0x0;
	[sflag:s1] =	ssyncadd.s32 $0xFFFFE000  }
0x3f: {  	s4 =	sand.u32 $0x40, s3;
	v0 =	vld [tilespmem:s3+$0x0]  }
0x40: {  	s5 =	sand.u32 $0x180, s3;
	s6 =	sor.u32 $0x30, s4  }
0x41: {  	s7 =	sor.u32 s6, s5  }
0x42: {  	s9 =	sor.u32 $0x10, s4;
	v1 =	vld [tilespmem:s7+$0x0]  }
0x43: {  	s20 =	sor.u32 s9, s5  }
0x44: {  	s17 =	sor.u32 $0x20, s4;
	v2 =	vld [tilespmem:s20+$0x0];
	v3 =	vshll.u32 v0, $0x3  }
0x45: {  	s5 =	sor.u32 s17, s5;
	v5 =	vshrl.u32 v0, $0x2;
	v0 =	vand.u32 $0xFFFFF07F, v0;
	v3 =	vand.u32 $0xC00, v3  }
0x46: {  	v4 =	vld [tilespmem:s5+$0x0];
	v5 =	vand.u32 $0x380, v5;
	v0 =	vor.u32 v3, v0  }
0x47: {  	v3 =	vshll.u32 v1, $0x3;
	v0 =	vor.u32 v5, v0  }
0x48: {  	v3 =	vand.u32 $0xC00, v3;
	v5 =	vshrl.u32 v1, $0x2;
	v1 =	vand.u32 $0xFFFFF07F, v1  }
0x49: {  	v6 =	vshll.u32 v2, $0x3;
	v5 =	vand.u32 $0x380, v5;
	v1 =	vor.u32 v3, v1  }
0x4a: {  	v3 =	vand.u32 $0xC00, v6;
	v5 =	vor.u32 v5, v1  }
0x4b: {  	v6 =	vshll.u32 v4, $0x3;
	v1 =	vand.u32 $0xFFFFF07F, v2;
	v2 =	vshrl.u32 v2, $0x2  }
0x4c: {  	v6 =	vand.u32 $0xC00, v6;
	v1 =	vor.u32 v3, v1;
	v2 =	vand.u32 $0x380, v2  }
0x4d: {  	v3 =	vshrl.u32 v4, $0x2;
	v4 =	vand.u32 $0xFFFFF07F, v4;
	v2 =	vor.u32 v2, v1  }
0x4e: {  	s21 =	sshll.u32 s8, $0xE;
	[dreg:$0x19] =	wrdreg s8;
	v3 =	vand.u32 $0x380, v3;
	v4 =	vor.u32 v6, v4  }
0x4f: {  	s22 =	simm.s32 $0x40;
	s1 =	sshrl.u32 s21, $0x2;
	v1 =	vor.u32 v3, v4;
	v3 =	vld.idx.msk [tilespmem:v5+s25+$0x0], $0xffff;
	[dreg:$0x1d] =	wrdreg s21  }
0x50: {  	s5 =	sand.u32 $0x40, s22;
	v4 =	vld.idx.msk [tilespmem:v0+s25+$0x0], $0xffff;
	[dreg:$0x1a] =	wrdreg s1  }
0x51: {  	s10 =	sand.u32 $0x180, s22;
	s16 =	sor.u32 $0x30, s5;
	v6 =	vld [tilespmem:s22+$0x0]  }
0x52: {  	s13 =	sadd.s32 $0x10200, s1;
	s3 =	sand.u32 $0xC00, s3;
	s7 =	sor.u32 s16, s10;
	v7 =	vld.idx.msk [tilespmem:v2+s25+$0x0], $0xffff  }
0x53: {  	s18 =	sadd.s32 s3, s13;
	v9 =	vld [tilespmem:s7+$0x0]  }
0x54: {  	s3 =	sadd.s32 s6, s18;
	v8 =	vld.idx.msk [tilespmem:v1+s25+$0x0], $0xffff  }
0x55: {  	s15 =	sor.u32 $0x10, s5;
	[tilespmem:s3+$0x0] =	vst v3  }
0x56: {  	s14 =	sor.u32 $0x20, s5;
	s23 =	sor.u32 s15, s10;
	s7 =	sadd.s32 s4, s18;
	v3 =	vld.idx.msk [tilespmem:v5+s26+$0x0], $0xffff  }
0x57: {  	s24 =	sor.u32 s14, s10;
	s10 =	sadd.s32 s9, s18;
	v10 =	vld [tilespmem:s23+$0x0];
	[tilespmem:s7+$0x0] =	vst v4  }
0x58: {  	s6 =	sadd.s32 s17, s18;
	v12 =	vld [tilespmem:s24+$0x0];
	[tilespmem:s10+$0x0] =	vst v7  }
0x59: {  	v11 =	vld.idx.msk [tilespmem:v0+s26+$0x0], $0xffff;
	v4 =	vshll.u32 v6, $0x3;
	[tilespmem:s6+$0x0] =	vst v8;
	v8 =	vshll.u32 v9, $0x3  }
0x5a: {  	v14 =	vshrl.u32 v9, $0x2;
	v7 =	vld.idx.msk [tilespmem:v2+s26+$0x0], $0xffff;
	v9 =	vand.u32 $0xFFFFF07F, v9;
	v8 =	vand.u32 $0xC00, v8  }
0x5b: {  	v15 =	vand.u32 $0xC00, v4;
	v13 =	vld.idx.msk [tilespmem:v1+s26+$0x0], $0xffff;
	v4 =	vor.u32 v8, v9;
	[tilespmem:s3+$0x80] =	vst v3  }
0x5c: {  	v8 =	vshrl.u32 v6, $0x2;
	v6 =	vand.u32 $0xFFFFF07F, v6;
	v3 =	vand.u32 $0x380, v14;
	v14 =	vld.idx.msk [tilespmem:v5+s28+$0x0], $0xffff  }
0x5d: {  	v6 =	vor.u32 v15, v6;
	v15 =	vshrl.u32 v12, $0x2  }
0x5e: {  	v4 =	vor.u32 v3, v4;
	v3 =	vand.u32 $0x380, v8;
	[tilespmem:s7+$0x80] =	vst v11;
	v8 =	vshrl.u32 v10, $0x2  }
0x5f: {  	v3 =	vor.u32 v3, v6;
	v6 =	vshll.u32 v10, $0x3;
	[tilespmem:s10+$0x80] =	vst v7;
	v7 =	vshll.u32 v12, $0x3  }
0x60: {  	v11 =	vld.idx.msk [tilespmem:v0+s28+$0x0], $0xffff;
	v12 =	vand.u32 $0xFFFFF07F, v12;
	v6 =	vand.u32 $0xC00, v6;
	[tilespmem:s6+$0x80] =	vst v13;
	v13 =	vand.u32 $0xFFFFF07F, v10  }
0x61: {  	v9 =	vld.idx.msk [tilespmem:v2+s28+$0x0], $0xffff;
	v7 =	vand.u32 $0xC00, v7;
	v6 =	vor.u32 v6, v13;
	[tilespmem:s3+$0x100] =	vst v14;
	v14 =	vand.u32 $0x380, v8  }
0x62: {  	v15 =	vand.u32 $0x380, v15;
	v10 =	vld.idx.msk [tilespmem:v1+s28+$0x0], $0xffff;
	v12 =	vor.u32 v7, v12;
	v7 =	vor.u32 v14, v6  }
0x63: {  	v8 =	vld.idx.msk [tilespmem:v5+s29+$0x0], $0xffff;
	v5 =	vor.u32 v15, v12  }
0x64: {  	s19 =	simm.s32 $0x80;
	v13 =	vld.idx.msk [tilespmem:v4+s25+$0x0], $0xffff  }
0x65: {  	s20 =	simm.s32 $0x80;
	s17 =	simm.s32 $0x4;
	s18 =	simm.s32 $0x200;
	v12 =	vld.idx.msk [tilespmem:v3+s25+$0x0], $0xffff;
	v6 =	vmov v3  }
.LBB2_3:
0x66: {  	s4 =	sand.u32 $0x40, s19;
	v14 =	vld [tilespmem:s20+$0x0];
	s9 =	sand.u32 $0x180, s19;
	s21 =	sand.u32 $0xC00, s18;
	[tilespmem:s7+$0x100] =	vst v11  }
0x67: {  	s17 =	sadd.s32 $0x4, s17;
	s23 =	sor.u32 $0x30, s4;
	s21 =	sadd.s32 s21, s13;
	v11 =	vld.idx.msk [tilespmem:v7+s25+$0x0], $0xffff;
	[tilespmem:s10+$0x100] =	vst v9  }
0x68: {  	p0 =	slt.u32 s17, $0x1C;
	s22 =	sor.u32 s23, s9;
	v9 =	vld.idx.msk [tilespmem:v5+s25+$0x0], $0xffff;
	s1 =	sadd.s32 s16, s21;
	[tilespmem:s6+$0x100] =	vst v10  }
0x69: {  	s24 =	sor.u32 $0x10, s4;
	s12 =	sor.u32 $0x20, s4;
	s8 =	sadd.s32 s5, s21;
	v10 =	vld [tilespmem:s22+$0x0];
	[tilespmem:s1+$0x0] =	vst v13  }
0x6a: {  	s5 =	sor.u32 s24, s9;
	s9 =	sor.u32 s12, s9;
	s22 =	sadd.s32 s15, s21;
	v13 =	vld.idx.msk [tilespmem:v4+s26+$0x0], $0xffff;
	[tilespmem:s3+$0x180] =	vst v8  }
0x6b: {  	s16 =	smov.u32 s23;
	s21 =	sadd.s32 s14, s21;
	v8 =	vld [tilespmem:s5+$0x0];
	[tilespmem:s8+$0x0] =	vst v12;
	s5 =	smov.u32 s4  }
0x6c: {  	s15 =	smov.u32 s24;
	s14 =	smov.u32 s12;
	s3 =	smov.u32 s1;
	v12 =	vshll.u32 v14, $0x3;
	v15 =	vld [tilespmem:s9+$0x0]  }
0x6d: {  	v16 =	vshrl.u32 v14, $0x2;
	v14 =	vand.u32 $0xFFFFF07F, v14;
	v12 =	vand.u32 $0xC00, v12;
	s9 =	smov.u32 s7;
	s7 =	smov.u32 s8;
	v17 =	vld.idx.msk [tilespmem:v3+s26+$0x0], $0xffff;
	[tilespmem:s22+$0x0] =	vst v11  }
0x6e: {  	v11 =	vand.u32 $0x380, v16;
	v12 =	vor.u32 v12, v14;
	v14 =	vld.idx.msk [tilespmem:v7+s26+$0x0], $0xffff;
	[tilespmem:s21+$0x0] =	vst v9  }
0x6f: {  	v9 =	vor.u32 v11, v12;
	v11 =	vshll.u32 v10, $0x3;
	v12 =	vld.idx.msk [tilespmem:v5+s26+$0x0], $0xffff  }
0x70: {  	v16 =	vshrl.u32 v10, $0x2;
	v10 =	vand.u32 $0xFFFFF07F, v10;
	v11 =	vand.u32 $0xC00, v11;
	[tilespmem:s3+$0x80] =	vst v13;
	v13 =	vld.idx.msk [tilespmem:v2+s29+$0x0], $0xffff;
	v2 =	vmovc v7  }
0x71: {  	v16 =	vand.u32 $0x380, v16;
	v7 =	vshll.u32 v8, $0x3;
	v10 =	vor.u32 v11, v10;
	v18 =	vld.idx.msk [tilespmem:v4+s28+$0x0], $0xffff  }
0x72: {  	v7 =	vand.u32 $0xC00, v7;
	v11 =	vshll.u32 v15, $0x3;
	v16 =	vor.u32 v16, v10;
	v19 =	vld.idx.msk [tilespmem:v1+s29+$0x0], $0xffff;
	v1 =	vmovc v5  }
0x73: {  	v10 =	vshrl.u32 v8, $0x2;
	v8 =	vand.u32 $0xFFFFF07F, v8;
	v20 =	vand.u32 $0xC00, v11;
	[tilespmem:s7+$0x80] =	vst v17;
	v17 =	vld.idx.msk [tilespmem:v0+s29+$0x0], $0xffff;
	v0 =	vmovc v3;
	v3 =	vmovc v9  }
0x74: {  	v7 =	vor.u32 v7, v8;
	v8 =	vshrl.u32 v15, $0x2;
	v15 =	vand.u32 $0xFFFFF07F, v15;
	v11 =	vld.idx.msk [tilespmem:v6+s28+$0x0], $0xffff;
	[tilespmem:s22+$0x80] =	vst v14;
	v6 =	vmovc v9  }
.Ltmp0:
0x75: {  	v10 =	vand.u32 $0x380, v10;
	v8 =	vand.u32 $0x380, v8;
	v14 =	vor.u32 v20, v15;
	v9 =	vld.idx.msk [tilespmem:v2+s28+$0x0], $0xffff;
	[tilespmem:s21+$0x80] =	vst v12;
	(pc) =	sbr.rel @p0 .LBB2_3-.Ltmp0, $4  }
0x76: {  	v7 =	vor.u32 v10, v7;
	v10 =	vld.idx.msk [tilespmem:v5+s28+$0x0], $0xffff;
	v5 =	vor.u32 v8, v14;
	[tilespmem:s10+$0x180] =	vst v13;
	s10 =	smov.u32 s22  }
0x77: {  	v13 =	vld.idx.msk [tilespmem:v16+s25+$0x0], $0xffff;
	[tilespmem:s3+$0x100] =	vst v18  }
0x78: {  	v8 =	vld.idx.msk [tilespmem:v4+s29+$0x0], $0xffff;
	[tilespmem:s6+$0x180] =	vst v19;
	v4 =	vmov v16;
	s6 =	smov.u32 s21  }
0x79: {  	s19 =	sadd.s32 $0x40, s19;
	s20 =	sadd.s32 $0x40, s20;
	s18 =	sadd.s32 $0x200, s18;
	v12 =	vld.idx.msk [tilespmem:v3+s25+$0x0], $0xffff;
	[tilespmem:s9+$0x180] =	vst v17  }
0x7a: {  	_ =	sdelay $0x3  }
0x7b: {  	v14 =	vld.idx.msk [tilespmem:v7+s25+$0x0], $0xffff  }
0x7c: {  	s1 =	sand.u32 $0xC00, s18  }
0x7d: {  	s1 =	sadd.s32 s1, s13  }
0x7e: {  	v15 =	vld.idx.msk [tilespmem:v5+s25+$0x0], $0xffff;
	[tilespmem:s7+$0x100] =	vst v11;
	s4 =	sadd.s32 s16, s1  }
0x7f: {  	s8 =	sadd.s32 s15, s1;
	[tilespmem:s4+$0x0] =	vst v13  }
0x80: {  	v11 =	vld.idx.msk [tilespmem:v4+s26+$0x0], $0xffff;
	[tilespmem:s8+$0x0] =	vst v14  }
0x81: {  	[tilespmem:s10+$0x100] =	vst v9;
	v13 =	vld.idx.msk [tilespmem:v7+s26+$0x0], $0xffff  }
0x82: {  	[tilespmem:s6+$0x100] =	vst v10;
	s9 =	sadd.s32 s14, s1  }
0x83: {  	v2 =	vld.idx.msk [tilespmem:v2+s29+$0x0], $0xffff;
	s1 =	sadd.s32 s5, s1;
	[tilespmem:s9+$0x0] =	vst v15  }
0x84: {  	[tilespmem:s1+$0x0] =	vst v12;
	v12 =	vld.idx.msk [tilespmem:v5+s26+$0x0], $0xffff  }
0x85: {  	v9 =	vld.idx.msk [tilespmem:v3+s26+$0x0], $0xffff;
	[tilespmem:s4+$0x80] =	vst v11  }
0x86: {  	v10 =	vld.idx.msk [tilespmem:v4+s28+$0x0], $0xffff;
	[tilespmem:s8+$0x80] =	vst v13  }
0x87: {  	[tilespmem:s3+$0x180] =	vst v8;
	v11 =	vld.idx.msk [tilespmem:v7+s28+$0x0], $0xffff  }
0x88: {  	v0 =	vld.idx.msk [tilespmem:v0+s29+$0x0], $0xffff;
	[tilespmem:s10+$0x180] =	vst v2  }
0x89: {  	v1 =	vld.idx.msk [tilespmem:v1+s29+$0x0], $0xffff;
	[tilespmem:s9+$0x80] =	vst v12  }
0x8a: {  	[tilespmem:s1+$0x80] =	vst v9;
	v9 =	vld.idx.msk [tilespmem:v5+s28+$0x0], $0xffff  }
0x8b: {  	v6 =	vld.idx.msk [tilespmem:v6+s28+$0x0], $0xffff;
	[tilespmem:s4+$0x100] =	vst v10  }
0x8c: {  	v2 =	vld.idx.msk [tilespmem:v4+s29+$0x0], $0xffff;
	[tilespmem:s8+$0x100] =	vst v11  }
0x8d: {  	[tilespmem:s7+$0x180] =	vst v0;
	v4 =	vld.idx.msk [tilespmem:v7+s29+$0x0], $0xffff  }
0x8e: {  	[tilespmem:s6+$0x180] =	vst v1  }
0x8f: {  	[tilespmem:s9+$0x100] =	vst v9  }
0x90: {  	[tilespmem:s1+$0x100] =	vst v6;
	v5 =	vld.idx.msk [tilespmem:v5+s29+$0x0], $0xffff  }
0x91: {  	v1 =	vld.idx.msk [tilespmem:v3+s29+$0x0], $0xffff;
	s14 =	rddreg [dreg:$0x19];
	[tilespmem:s4+$0x180] =	vst v2  }
0x92: {  	p0 =	seq.s32 s14, $0xB;
	[tilespmem:s8+$0x180] =	vst v4  }
0x93: {  	s5 =	sshll.u32 @!p0 s14, $0xC;
	s3 =	rddreg [dreg:$0xe]  }
0x94: {  	s3 =	sadd.s32 @!p0 s3, s5  }
0x95: {  	[tilespmem:s9+$0x180] =	vst v5;
	s3 =	sshll.u32 @!p0 s3, $0x6  }
0x96: {  	s4 =	simm.s32 @!p0 $0x200;
	[tilespmem:s1+$0x180] =	vst v1;
	s1 =	sadd.s32 @!p0 s11, s3;
	s3 =	simm.s32 @!p0 $0x0  }
0x97: {  	[tilespmem:s4], [sflag:$0x1] =	stream.linear.gather @!p0 [hbm4b:s1+s3], $0x2000, $0x38;
	[tilespmem:$0x1C200] =	vst v63  }
0x98: {  	s1 =	rddreg [dreg:$0xf]  }
0x99: {  	s1 =	sadd.s32 @!p0 s1, s5  }
0x9a: {  	s1 =	sshll.u32 @!p0 s1, $0x6  }
0x9b: {  	s4 =	simm.s32 @!p0 $0x2200;
	s1 =	sadd.s32 @!p0 s11, s1  }
0x9c: {  	[tilespmem:s4], [sflag:$0x1] =	stream.linear.gather @!p0 [hbm4b:s1+s3], $0x2000, $0x38;
	[tilespmem:$0x1C200] =	vst v63  }
0x9d: {  	s1 =	rddreg [dreg:$0x10]  }
0x9e: {  	s1 =	sadd.s32 @!p0 s1, s5  }
0x9f: {  	s1 =	sshll.u32 @!p0 s1, $0x6  }
0xa0: {  	s4 =	simm.s32 @!p0 $0x4200;
	s1 =	sadd.s32 @!p0 s11, s1  }
0xa1: {  	[tilespmem:s4], [sflag:$0x1] =	stream.linear.gather @!p0 [hbm4b:s1+s3], $0x2000, $0x38;
	[tilespmem:$0x1C200] =	vst v63  }
0xa2: {  	s1 =	rddreg [dreg:$0x11]  }
0xa3: {  	s1 =	sadd.s32 @!p0 s1, s5  }
0xa4: {  	s12 =	rddreg [dreg:$0x4];
	s1 =	sshll.u32 @!p0 s1, $0x6  }
0xa5: {  	s15 =	rddreg [dreg:$0x1d];
	s4 =	simm.s32 @!p0 $0x6200;
	s1 =	sadd.s32 @!p0 s11, s1  }
0xa6: {  	[tilespmem:s4], [sflag:$0x1] =	stream.linear.gather @!p0 [hbm4b:s1+s3], $0x2000, $0x38;
	[tilespmem:$0x1C200] =	vst v63  }
0xa7: {  	s16 =	rddreg [dreg:$0x2];
	s3 =	sor.u32 s12, s15  }
0xa8: {  	s17 =	simm.s32 $0x0;
	s6 =	rddreg [dreg:$0x1a];
	s1 =	sadd.s32 s16, s3  }
0xa9: {  	[hbm4b:s1+s17] =	stream.linear.scatter [tilespmem:s13], [sflag:$0x2], $0x200, $0x38;
	[tilespmem:$0x1C200] =	vst v63  }
0xaa: {  	s8 =	simm.s32 $0x1;
	s21 =	sadd.s32 $0x10600, s6;
	s22 =	sadd.s32 $0x80, s1  }
0xab: {  	[hbm4b:s22+s17] =	stream.linear.scatter [tilespmem:s21], [sflag:$0x2], $0x200, $0x38;
	[tilespmem:$0x1C200] =	vst v63  }
0xac: {  	[dreg:$0x1b] =	wrdreg s5;
	s23 =	sadd.s32 $0x10A00, s6;
	s24 =	sadd.s32 $0x100, s1  }
0xad: {  	[hbm4b:s24+s17] =	stream.linear.scatter [tilespmem:s23], [sflag:$0x2], $0x200, $0x38;
	[tilespmem:$0x1C200] =	vst v63  }
0xae: {  	s7 =	sadd.s32 $0x10E00, s6;
	[dreg:$0x1c] =	wrdreg s3;
	s1 =	sadd.s32 $0x180, s1  }
0xaf: {  	[hbm4b:s1+s17] =	stream.linear.scatter [tilespmem:s7], [sflag:$0x2], $0x200, $0x38;
	[tilespmem:$0x1C200] =	vst v63  }
0xb0: {  	_ =	swait.ge [sflag:s8], $0x2000  }
0xb1: {  	[sflag:s8] =	ssyncset.done $0x0  }
0xb2: {  	[sflag:s8] =	ssyncadd.s32 $0xFFFFE000  }
0xb3: {  	_ =	swait.ge [sflag:s8], $0x2000  }
0xb4: {  	[sflag:s8] =	ssyncset.done $0x0  }
0xb5: {  	[sflag:s8] =	ssyncadd.s32 $0xFFFFE000  }
0xb6: {  	_ =	swait.ge [sflag:s8], $0x2000  }
0xb7: {  	[sflag:s8] =	ssyncset.done $0x0  }
0xb8: {  	[sflag:s8] =	ssyncadd.s32 $0xFFFFE000  }
0xb9: {  	_ =	swait.ge [sflag:s8], $0x2000  }
0xba: {  	[sflag:s8] =	ssyncset.done $0x0  }
0xbb: {  	s9 =	sand.u32 $0x40, s17;
	[sflag:s8] =	ssyncadd.s32 $0xFFFFE000  }
0xbc: {  	s10 =	sand.u32 $0x180, s17;
	s11 =	sor.u32 $0x30, s9;
	v0 =	vld [tilespmem:s17+$0x0]  }
0xbd: {  	s15 =	sor.u32 s11, s10;
	s16 =	sor.u32 $0x10, s9  }
0xbe: {  	s18 =	sor.u32 s16, s10;
	v1 =	vld [tilespmem:s15+$0x0]  }
0xbf: {  	v2 =	vld [tilespmem:s18+$0x0]  }
0xc0: {  	s19 =	sor.u32 $0x20, s9  }
0xc1: {  	s4 =	sor.u32 s19, s10;
	v3 =	vshll.u32 v0, $0x3  }
0xc2: {  	v4 =	vld [tilespmem:s4+$0x0];
	v5 =	vshrl.u32 v0, $0x2;
	v0 =	vand.u32 $0xFFFFF07F, v0;
	v3 =	vand.u32 $0xC00, v3  }
0xc3: {  	v5 =	vand.u32 $0x380, v5;
	v0 =	vor.u32 v3, v0  }
0xc4: {  	v6 =	vshll.u32 v2, $0x3;
	v3 =	vshll.u32 v1, $0x3;
	v0 =	vor.u32 v5, v0  }
0xc5: {  	v3 =	vand.u32 $0xC00, v3;
	v5 =	vshrl.u32 v1, $0x2;
	v1 =	vand.u32 $0xFFFFF07F, v1  }
0xc6: {  	v5 =	vand.u32 $0x380, v5;
	v1 =	vor.u32 v3, v1;
	v3 =	vand.u32 $0xC00, v6  }
0xc7: {  	v6 =	vshll.u32 v4, $0x3;
	v5 =	vor.u32 v5, v1;
	v1 =	vand.u32 $0xFFFFF07F, v2  }
0xc8: {  	v2 =	vshrl.u32 v2, $0x2;
	v6 =	vand.u32 $0xC00, v6;
	v1 =	vor.u32 v3, v1  }
0xc9: {  	s20 =	simm.s32 $0x40;
	v3 =	vshrl.u32 v4, $0x2;
	v4 =	vand.u32 $0xFFFFF07F, v4;
	v2 =	vand.u32 $0x380, v2  }
0xca: {  	s5 =	sand.u32 $0x40, s20;
	v3 =	vand.u32 $0x380, v3;
	v4 =	vor.u32 v6, v4;
	v2 =	vor.u32 v2, v1  }
0xcb: {  	s4 =	sand.u32 $0x180, s20;
	s18 =	sor.u32 $0x30, s5;
	v1 =	vor.u32 v3, v4  }
0xcc: {  	s21 =	sor.u32 s18, s4;
	v3 =	vld.idx.msk [tilespmem:v5+s30+$0x0], $0xffff  }
0xcd: {  	v9 =	vld [tilespmem:s21+$0x0]  }
0xce: {  	s3 =	sand.u32 $0xC00, s17;
	v4 =	vld.idx.msk [tilespmem:v0+s30+$0x0], $0xffff  }
0xcf: {  	s12 =	sadd.s32 s3, s13;
	v7 =	vld.idx.msk [tilespmem:v2+s30+$0x0], $0xffff  }
0xd0: {  	s3 =	sadd.s32 s11, s12;
	v8 =	vld.idx.msk [tilespmem:v1+s30+$0x0], $0xffff  }
0xd1: {  	s17 =	sor.u32 $0x10, s5;
	v6 =	vld [tilespmem:s20+$0x0];
	[tilespmem:s3+$0x200] =	vst v3  }
0xd2: {  	s7 =	sadd.s32 s9, s12;
	s15 =	sor.u32 $0x20, s5;
	s22 =	sor.u32 s17, s4;
	v3 =	vld.idx.msk [tilespmem:v5+s31+$0x0], $0xffff  }
0xd3: {  	s10 =	sadd.s32 s16, s12;
	s23 =	sor.u32 s15, s4;
	v10 =	vld [tilespmem:s22+$0x0];
	[tilespmem:s7+$0x200] =	vst v4  }
0xd4: {  	s6 =	sadd.s32 s19, s12;
	v12 =	vld [tilespmem:s23+$0x0];
	[tilespmem:s10+$0x200] =	vst v7  }
0xd5: {  	v14 =	vshrl.u32 v9, $0x2;
	v11 =	vld.idx.msk [tilespmem:v0+s31+$0x0], $0xffff;
	[tilespmem:s6+$0x200] =	vst v8;
	v8 =	vshll.u32 v9, $0x3  }
0xd6: {  	v4 =	vshll.u32 v6, $0x3;
	v7 =	vld.idx.msk [tilespmem:v2+s31+$0x0], $0xffff;
	v9 =	vand.u32 $0xFFFFF07F, v9;
	v8 =	vand.u32 $0xC00, v8  }
0xd7: {  	v15 =	vand.u32 $0xC00, v4;
	v13 =	vld.idx.msk [tilespmem:v1+s31+$0x0], $0xffff;
	v4 =	vor.u32 v8, v9;
	[tilespmem:s3+$0x280] =	vst v3  }
0xd8: {  	v8 =	vshrl.u32 v6, $0x2;
	v6 =	vand.u32 $0xFFFFF07F, v6;
	v3 =	vand.u32 $0x380, v14;
	v14 =	vld.idx.msk [tilespmem:v5+s0+$0x0], $0xffff  }
0xd9: {  	v6 =	vor.u32 v15, v6;
	v4 =	vor.u32 v3, v4  }
0xda: {  	[tilespmem:s7+$0x280] =	vst v11;
	v15 =	vand.u32 $0xFFFFF07F, v12;
	v3 =	vand.u32 $0x380, v8;
	v8 =	vshrl.u32 v10, $0x2  }
0xdb: {  	v11 =	vld.idx.msk [tilespmem:v0+s0+$0x0], $0xffff;
	v3 =	vor.u32 v3, v6;
	v6 =	vshll.u32 v10, $0x3;
	[tilespmem:s10+$0x280] =	vst v7;
	v7 =	vshll.u32 v12, $0x3  }
0xdc: {  	v6 =	vand.u32 $0xC00, v6;
	v9 =	vld.idx.msk [tilespmem:v2+s0+$0x0], $0xffff;
	[tilespmem:s6+$0x280] =	vst v13;
	v13 =	vand.u32 $0xFFFFF07F, v10;
	v7 =	vand.u32 $0xC00, v7  }
0xdd: {  	s24 =	sshll.u32 s14, $0x12;
	v10 =	vld.idx.msk [tilespmem:v1+s0+$0x0], $0xffff;
	v6 =	vor.u32 v6, v13;
	v13 =	vshrl.u32 v12, $0x2;
	[tilespmem:s3+$0x300] =	vst v14;
	v14 =	vand.u32 $0x380, v8  }
0xde: {  	v15 =	vor.u32 v7, v15;
	v13 =	vand.u32 $0x380, v13;
	v12 =	vld.idx.msk [tilespmem:v4+s30+$0x0], $0xffff;
	[dreg:$0x1e] =	wrdreg s24;
	v7 =	vor.u32 v14, v6  }
0xdf: {  	v8 =	vld.idx.msk [tilespmem:v5+s2+$0x0], $0xffff;
	v5 =	vor.u32 v13, v15  }
0xe0: {  	s19 =	simm.s32 $0x4  }
0xe1: {  	s21 =	simm.s32 $0x80;
	s22 =	simm.s32 $0x80;
	s20 =	simm.s32 $0x200;
	v6 =	vmov v3;
	v13 =	vld.idx.msk [tilespmem:v3+s30+$0x0], $0xffff  }
.LBB2_5:
0xe2: {  	s1 =	sand.u32 $0x40, s21;
	v14 =	vld [tilespmem:s22+$0x0];
	s4 =	sand.u32 $0x180, s21;
	s8 =	sand.u32 $0xC00, s20;
	[tilespmem:s7+$0x300] =	vst v11  }
0xe3: {  	s19 =	sadd.s32 $0x4, s19;
	s12 =	sor.u32 $0x30, s1;
	s8 =	sadd.s32 s8, s13;
	v11 =	vld.idx.msk [tilespmem:v7+s30+$0x0], $0xffff;
	[tilespmem:s10+$0x300] =	vst v9  }
0xe4: {  	p1 =	slt.u32 s19, $0x1C;
	s9 =	sor.u32 s12, s4;
	v9 =	vld.idx.msk [tilespmem:v5+s30+$0x0], $0xffff;
	s24 =	sadd.s32 s18, s8;
	[tilespmem:s6+$0x300] =	vst v10  }
0xe5: {  	s16 =	sor.u32 $0x10, s1;
	s11 =	sor.u32 $0x20, s1;
	s14 =	sadd.s32 s5, s8;
	v10 =	vld [tilespmem:s9+$0x0];
	[tilespmem:s24+$0x200] =	vst v12  }
0xe6: {  	s5 =	sor.u32 s16, s4;
	s4 =	sor.u32 s11, s4;
	s9 =	sadd.s32 s17, s8;
	v12 =	vld.idx.msk [tilespmem:v4+s31+$0x0], $0xffff;
	[tilespmem:s3+$0x380] =	vst v8  }
0xe7: {  	s23 =	sadd.s32 s15, s8;
	s18 =	smov.u32 s12;
	v8 =	vld [tilespmem:s5+$0x0];
	[tilespmem:s14+$0x200] =	vst v13;
	s5 =	smov.u32 s1  }
0xe8: {  	s15 =	smov.u32 s11;
	s17 =	smov.u32 s16;
	s3 =	smov.u32 s24;
	v13 =	vshll.u32 v14, $0x3;
	v15 =	vld [tilespmem:s4+$0x0]  }
0xe9: {  	v16 =	vshrl.u32 v14, $0x2;
	v14 =	vand.u32 $0xFFFFF07F, v14;
	v13 =	vand.u32 $0xC00, v13;
	s4 =	smov.u32 s7;
	s7 =	smov.u32 s14;
	v17 =	vld.idx.msk [tilespmem:v3+s31+$0x0], $0xffff;
	[tilespmem:s9+$0x200] =	vst v11  }
0xea: {  	v11 =	vand.u32 $0x380, v16;
	v13 =	vor.u32 v13, v14;
	v14 =	vld.idx.msk [tilespmem:v7+s31+$0x0], $0xffff;
	[tilespmem:s23+$0x200] =	vst v9  }
0xeb: {  	v9 =	vor.u32 v11, v13;
	v11 =	vshll.u32 v10, $0x3;
	v13 =	vld.idx.msk [tilespmem:v5+s31+$0x0], $0xffff  }
0xec: {  	v16 =	vshrl.u32 v10, $0x2;
	v10 =	vand.u32 $0xFFFFF07F, v10;
	v11 =	vand.u32 $0xC00, v11;
	[tilespmem:s3+$0x280] =	vst v12;
	v12 =	vld.idx.msk [tilespmem:v2+s2+$0x0], $0xffff;
	v2 =	vmovc v7  }
0xed: {  	v16 =	vand.u32 $0x380, v16;
	v7 =	vshll.u32 v8, $0x3;
	v10 =	vor.u32 v11, v10;
	v18 =	vld.idx.msk [tilespmem:v4+s0+$0x0], $0xffff  }
0xee: {  	v7 =	vand.u32 $0xC00, v7;
	v11 =	vshll.u32 v15, $0x3;
	v16 =	vor.u32 v16, v10;
	v19 =	vld.idx.msk [tilespmem:v1+s2+$0x0], $0xffff;
	v1 =	vmovc v5  }
0xef: {  	v10 =	vshrl.u32 v8, $0x2;
	v8 =	vand.u32 $0xFFFFF07F, v8;
	v20 =	vand.u32 $0xC00, v11;
	[tilespmem:s7+$0x280] =	vst v17;
	v17 =	vld.idx.msk [tilespmem:v0+s2+$0x0], $0xffff;
	v0 =	vmovc v3;
	v3 =	vmovc v9  }
0xf0: {  	v7 =	vor.u32 v7, v8;
	v8 =	vshrl.u32 v15, $0x2;
	v15 =	vand.u32 $0xFFFFF07F, v15;
	v11 =	vld.idx.msk [tilespmem:v6+s0+$0x0], $0xffff;
	[tilespmem:s9+$0x280] =	vst v14;
	v6 =	vmovc v9  }
.Ltmp1:
0xf1: {  	v10 =	vand.u32 $0x380, v10;
	v8 =	vand.u32 $0x380, v8;
	v14 =	vor.u32 v20, v15;
	v9 =	vld.idx.msk [tilespmem:v2+s0+$0x0], $0xffff;
	[tilespmem:s23+$0x280] =	vst v13;
	(pc) =	sbr.rel @p1 .LBB2_5-.Ltmp1, $4  }
0xf2: {  	v7 =	vor.u32 v10, v7;
	v10 =	vld.idx.msk [tilespmem:v5+s0+$0x0], $0xffff;
	v5 =	vor.u32 v8, v14;
	[tilespmem:s10+$0x380] =	vst v12;
	s10 =	smov.u32 s9  }
0xf3: {  	v12 =	vld.idx.msk [tilespmem:v16+s30+$0x0], $0xffff;
	[tilespmem:s3+$0x300] =	vst v18  }
0xf4: {  	v8 =	vld.idx.msk [tilespmem:v4+s2+$0x0], $0xffff;
	[tilespmem:s6+$0x380] =	vst v19;
	v4 =	vmov v16;
	s6 =	smov.u32 s23  }
0xf5: {  	s21 =	sadd.s32 $0x40, s21;
	s22 =	sadd.s32 $0x40, s22;
	s20 =	sadd.s32 $0x200, s20;
	v13 =	vld.idx.msk [tilespmem:v3+s30+$0x0], $0xffff;
	[tilespmem:s4+$0x380] =	vst v17  }
0xf6: {  	_ =	sdelay $0x3  }
0xf7: {  	v14 =	vld.idx.msk [tilespmem:v7+s30+$0x0], $0xffff;
	s1 =	sand.u32 $0xC00, s20  }
0xf8: {  	v15 =	vld.idx.msk [tilespmem:v5+s30+$0x0], $0xffff;
	s1 =	sadd.s32 s1, s13  }
0xf9: {  	[tilespmem:s7+$0x300] =	vst v11;
	s4 =	sadd.s32 s18, s1  }
0xfa: {  	s8 =	sadd.s32 s17, s1;
	s9 =	sadd.s32 s15, s1;
	s1 =	sadd.s32 s5, s1;
	[tilespmem:s4+$0x200] =	vst v12  }
0xfb: {  	v53 =	vld.idx.msk [tilespmem:v4+s31+$0x0], $0xffff;
	[tilespmem:s1+$0x200] =	vst v13  }
0xfc: {  	[tilespmem:s8+$0x200] =	vst v14;
	v56 =	vld.idx.msk [tilespmem:v3+s31+$0x0], $0xffff  }
0xfd: {  	[tilespmem:s9+$0x200] =	vst v15;
	v54 =	vld.idx.msk [tilespmem:v7+s31+$0x0], $0xffff  }
0xfe: {  	[tilespmem:s10+$0x300] =	vst v9;
	v55 =	vld.idx.msk [tilespmem:v5+s31+$0x0], $0xffff  }
0xff: {  	[tilespmem:s6+$0x300] =	vst v10  }
0x100: {  	v2 =	vld.idx.msk [tilespmem:v2+s2+$0x0], $0xffff;
	[tilespmem:s4+$0x280] =	vst v53  }
0x101: {  	v57 =	vld.idx.msk [tilespmem:v4+s0+$0x0], $0xffff;
	[tilespmem:s1+$0x280] =	vst v56  }
0x102: {  	[tilespmem:s8+$0x280] =	vst v54;
	v6 =	vld.idx.msk [tilespmem:v6+s0+$0x0], $0xffff  }
0x103: {  	[tilespmem:s9+$0x280] =	vst v55;
	v58 =	vld.idx.msk [tilespmem:v7+s0+$0x0], $0xffff  }
0x104: {  	[tilespmem:s3+$0x380] =	vst v8;
	v59 =	vld.idx.msk [tilespmem:v5+s0+$0x0], $0xffff  }
0x105: {  	v0 =	vld.idx.msk [tilespmem:v0+s2+$0x0], $0xffff;
	[tilespmem:s10+$0x380] =	vst v2  }
0x106: {  	v1 =	vld.idx.msk [tilespmem:v1+s2+$0x0], $0xffff;
	[tilespmem:s4+$0x300] =	vst v57  }
0x107: {  	v60 =	vld.idx.msk [tilespmem:v4+s2+$0x0], $0xffff;
	[tilespmem:s1+$0x300] =	vst v6  }
0x108: {  	[tilespmem:s8+$0x300] =	vst v58;
	v63 =	vld.idx.msk [tilespmem:v3+s2+$0x0], $0xffff  }
0x109: {  	[tilespmem:s9+$0x300] =	vst v59;
	v61 =	vld.idx.msk [tilespmem:v7+s2+$0x0], $0xffff  }
0x10a: {  	[tilespmem:s7+$0x380] =	vst v0;
	v62 =	vld.idx.msk [tilespmem:v5+s2+$0x0], $0xffff  }
0x10b: {  	[tilespmem:s6+$0x380] =	vst v1  }
0x10c: {  	[tilespmem:s4+$0x380] =	vst v60  }
0x10d: {  	[tilespmem:s1+$0x380] =	vst v63  }
0x10e: {  	[tilespmem:s8+$0x380] =	vst v61  }
0x10f: {  	[tilespmem:s9+$0x380] =	vst v62  }
0x110: {  	s1 =	rddreg [dreg:$0x15]  }
0x111: {  	s4 =	simm.s32 @!p0 $0x8200;
	s3 =	rddreg [dreg:$0x1e]  }
0x112: {  	s5 =	rddreg [dreg:$0x1b];
	s1 =	sadd.s32 @!p0 s3, s1;
	s3 =	simm.s32 @!p0 $0x0  }
0x113: {  	[tilespmem:s4], [sflag:$0x1] =	stream.linear.gather @!p0 [hbm4b:s1+s3], $0x2000, $0x38;
	[tilespmem:$0x1C200] =	vst v63  }
0x114: {  	s1 =	rddreg [dreg:$0x12]  }
0x115: {  	s1 =	sadd.s32 @!p0 s1, s5  }
0x116: {  	s11 =	rddreg [dreg:$0x0];
	s1 =	sshll.u32 @!p0 s1, $0x6  }
0x117: {  	s4 =	simm.s32 @!p0 $0xA200;
	s1 =	sadd.s32 @!p0 s11, s1  }
0x118: {  	[tilespmem:s4], [sflag:$0x1] =	stream.linear.gather @!p0 [hbm4b:s1+s3], $0x2000, $0x38;
	[tilespmem:$0x1C200] =	vst v63  }
0x119: {  	s1 =	rddreg [dreg:$0x13]  }
0x11a: {  	s1 =	sadd.s32 @!p0 s1, s5  }
0x11b: {  	s1 =	sshll.u32 @!p0 s1, $0x6  }
0x11c: {  	s6 =	rddreg [dreg:$0x1a];
	s4 =	simm.s32 @!p0 $0xC200;
	s1 =	sadd.s32 @!p0 s11, s1  }
0x11d: {  	[tilespmem:s4], [sflag:$0x1] =	stream.linear.gather @!p0 [hbm4b:s1+s3], $0x2000, $0x38;
	[tilespmem:$0x1C200] =	vst v63  }
0x11e: {  	s1 =	rddreg [dreg:$0x14]  }
0x11f: {  	s18 =	rddreg [dreg:$0x16];
	s1 =	sadd.s32 @!p0 s1, s5  }
0x120: {  	s20 =	simm.s32 $0x0;
	s19 =	rddreg [dreg:$0x1c];
	s1 =	sshll.u32 @!p0 s1, $0x6  }
0x121: {  	s8 =	rddreg [dreg:$0x19];
	s4 =	simm.s32 @!p0 $0xE200;
	s1 =	sadd.s32 @!p0 s11, s1  }
0x122: {  	[tilespmem:s4], [sflag:$0x1] =	stream.linear.gather @!p0 [hbm4b:s1+s3], $0x2000, $0x38;
	[tilespmem:$0x1C200] =	vst v63  }
0x123: {  	s17 =	sadd.s32 $0x10400, s6;
	s8 =	sadd.s32 $0x1, s8;
	s3 =	sadd.s32 s19, s18  }
0x124: {  	[hbm4b:s3+s20] =	stream.linear.scatter [tilespmem:s17], [sflag:$0x2], $0x200, $0x38;
	[tilespmem:$0x1C200] =	vst v63  }
0x125: {  	s21 =	sadd.s32 $0x10800, s6;
	p0 =	sne.s32 s8, $0xC;
	s4 =	sadd.s32 $0x80, s3  }
0x126: {  	[hbm4b:s4+s20] =	stream.linear.scatter [tilespmem:s21], [sflag:$0x2], $0x200, $0x38;
	[tilespmem:$0x1C200] =	vst v63  }
.Ltmp2:
0x127: {  	_ = 	snop;
	(pc) =	sbr.rel @p0 .LBB2_2-.Ltmp2, $4  }
0x128: {  	s22 =	sadd.s32 $0x10C00, s6;
	s23 =	sadd.s32 $0x100, s3  }
0x129: {  	[hbm4b:s23+s20] =	stream.linear.scatter [tilespmem:s22], [sflag:$0x2], $0x200, $0x38;
	[tilespmem:$0x1C200] =	vst v63  }
0x12a: {  	s24 =	sadd.s32 $0x11000, s6;
	s3 =	sadd.s32 $0x180, s3  }
0x12b: {  	[hbm4b:s3+s20] =	stream.linear.scatter [tilespmem:s24], [sflag:$0x2], $0x200, $0x38;
	[tilespmem:$0x1C200] =	vst v63  }
0x12c: {  	s3 =	simm.s32 $0x2  }
0x12d: {  	_ =	swait.ge [sflag:s3], $0x800  }
0x12e: {  	[sflag:s3] =	ssyncset.done $0x0  }
0x12f: {  	[sflag:s3] =	ssyncadd.s32 $0xFFFFF800  }
0x130: {  	_ =	swait.ge [sflag:s3], $0x800  }
0x131: {  	[sflag:s3] =	ssyncset.done $0x0  }
0x132: {  	[sflag:s3] =	ssyncadd.s32 $0xFFFFF800  }
0x133: {  	_ =	swait.ge [sflag:s3], $0x800  }
0x134: {  	[sflag:s3] =	ssyncset.done $0x0  }
0x135: {  	[sflag:s3] =	ssyncadd.s32 $0xFFFFF800  }
0x136: {  	_ =	swait.ge [sflag:s3], $0x800  }
0x137: {  	[sflag:s3] =	ssyncset.done $0x0  }
0x138: {  	[sflag:s3] =	ssyncadd.s32 $0xFFFFF800  }
0x139: {  	_ =	swait.ge [sflag:s3], $0x800  }
0x13a: {  	[sflag:s3] =	ssyncset.done $0x0  }
0x13b: {  	[sflag:s3] =	ssyncadd.s32 $0xFFFFF800  }
0x13c: {  	_ =	swait.ge [sflag:s3], $0x800  }
0x13d: {  	[sflag:s3] =	ssyncset.done $0x0  }
0x13e: {  	[sflag:s3] =	ssyncadd.s32 $0xFFFFF800  }
0x13f: {  	_ =	swait.ge [sflag:s3], $0x800  }
0x140: {  	[sflag:s3] =	ssyncset.done $0x0  }
0x141: {  	[sflag:s3] =	ssyncadd.s32 $0xFFFFF800  }
0x142: {  	_ =	swait.ge [sflag:s3], $0x800  }
0x143: {  	[sflag:s3] =	ssyncset.done $0x0  }
0x144: {  	[sflag:s3] =	ssyncadd.s32 $0xFFFFF800  }
0x145: {  	_ =	swait.ge [sflag:s3], $0x800  }
0x146: {  	[sflag:s3] =	ssyncset.done $0x0  }
0x147: {  	[sflag:s3] =	ssyncadd.s32 $0xFFFFF800  }
0x148: {  	_ =	swait.ge [sflag:s3], $0x800  }
0x149: {  	[sflag:s3] =	ssyncset.done $0x0  }
0x14a: {  	[sflag:s3] =	ssyncadd.s32 $0xFFFFF800  }
0x14b: {  	_ =	swait.ge [sflag:s3], $0x800  }
0x14c: {  	[sflag:s3] =	ssyncset.done $0x0  }
0x14d: {  	[sflag:s3] =	ssyncadd.s32 $0xFFFFF800  }
0x14e: {  	_ =	swait.ge [sflag:s3], $0x800  }
0x14f: {  	[sflag:s3] =	ssyncset.done $0x0  }
0x150: {  	[sflag:s3] =	ssyncadd.s32 $0xFFFFF800  }
0x151: {  	_ =	swait.ge [sflag:s3], $0x800  }
0x152: {  	[sflag:s3] =	ssyncset.done $0x0  }
0x153: {  	[sflag:s3] =	ssyncadd.s32 $0xFFFFF800  }
0x154: {  	_ =	swait.ge [sflag:s3], $0x800  }
0x155: {  	[sflag:s3] =	ssyncset.done $0x0  }
0x156: {  	[sflag:s3] =	ssyncadd.s32 $0xFFFFF800  }
0x157: {  	_ =	swait.ge [sflag:s3], $0x800  }
0x158: {  	[sflag:s3] =	ssyncset.done $0x0  }
0x159: {  	[sflag:s3] =	ssyncadd.s32 $0xFFFFF800  }
0x15a: {  	_ =	swait.ge [sflag:s3], $0x800  }
0x15b: {  	[sflag:s3] =	ssyncset.done $0x0  }
0x15c: {  	[sflag:s3] =	ssyncadd.s32 $0xFFFFF800  }
0x15d: {  	_ =	swait.ge [sflag:s3], $0x800  }
0x15e: {  	[sflag:s3] =	ssyncset.done $0x0  }
0x15f: {  	[sflag:s3] =	ssyncadd.s32 $0xFFFFF800  }
0x160: {  	_ =	swait.ge [sflag:s3], $0x800  }
0x161: {  	[sflag:s3] =	ssyncset.done $0x0  }
0x162: {  	[sflag:s3] =	ssyncadd.s32 $0xFFFFF800  }
0x163: {  	_ =	swait.ge [sflag:s3], $0x800  }
0x164: {  	[sflag:s3] =	ssyncset.done $0x0  }
0x165: {  	[sflag:s3] =	ssyncadd.s32 $0xFFFFF800  }
0x166: {  	_ =	swait.ge [sflag:s3], $0x800  }
0x167: {  	[sflag:s3] =	ssyncset.done $0x0  }
0x168: {  	[sflag:s3] =	ssyncadd.s32 $0xFFFFF800  }
0x169: {  	_ =	swait.ge [sflag:s3], $0x800  }
0x16a: {  	[sflag:s3] =	ssyncset.done $0x0  }
0x16b: {  	[sflag:s3] =	ssyncadd.s32 $0xFFFFF800  }
0x16c: {  	_ =	swait.ge [sflag:s3], $0x800  }
0x16d: {  	[sflag:s3] =	ssyncset.done $0x0  }
0x16e: {  	[sflag:s3] =	ssyncadd.s32 $0xFFFFF800  }
0x16f: {  	_ =	swait.ge [sflag:s3], $0x800  }
0x170: {  	[sflag:s3] =	ssyncset.done $0x0  }
0x171: {  	[sflag:s3] =	ssyncadd.s32 $0xFFFFF800  }
0x172: {  	_ =	swait.ge [sflag:s3], $0x800  }
0x173: {  	s4 =	rddreg [dreg:$0x18]  }
0x174: {  	s1 =	rddreg [dreg:$0x17];
	s4 =	sadd.s32 $0x1, s4  }
0x175: {  	p0 =	sne.s32 s4, s1  }
.Ltmp3:
0x176: {  	_ = 	snop;
	(pc) =	sbr.rel @p0 .LBB2_1-.Ltmp3, $3  }
0x177: {  	_ =	sdelay $0x1  }
0x178: {  	[sflag:s3] =	ssyncset.done $0x0  }
0x179: {  	[sflag:s3] =	ssyncadd.s32 $0xFFFFF800  }
0x17a: {  	_ =	sfence.sel $0x180000  }
0x17b: {  	[bflag:$0x0] =	sbarrier.arrive $0xFFFF  }
0x17c: {  	_ =	strace $0x90000047  }
0x17d: {  	s0 =	stileid.u32;
	[bflag:$0x2] =	sbarrier.arrive $0xFFFF  }
0x17e: {  	p0 =	sne.s32 s0, $0x0;
	s0 =	rddreg [dreg:$0x3]  }
0x17f: {  	s0 =	sadd.s32 @!p0 $0x100000, s0  }
0x180: {  	[sflag:s0] =	ssyncadd.tile.s32 @!p0 $0x1;
	_ =	shalt  }
.Lfunc_end2:
_tile_overlayer_lowered:
.L_overlay_start_2:
0x181: {  	(tag) =	ssettag $0x2  }
0x182: {  	s0 =	rddreg [dreg:$0x0];
	s2 =	stileid.u32  }
0x183: {  	s1 =	rddreg [dreg:$0x1];
	p0 =	sne.s32 s2, $0x0  }
0x184: {  	s3 =	rddreg [dreg:$0x2];
	[bflag:$0x3] =	sbarrier.arrive $0xFFFF;
	s2 =	simm.s32 @!p0 $0x1C04  }
0x185: {  	[timem:s3], [sflag:s2] =	dma.local @!p0 [hbm:s0], s1  }
0x186: {  	s0 =	simm.s32 @!p0 $0x4  }
0x187: {  	_ =	swait.ge @!p0 [sflag:s0], s1  }
0x188: {  	s1 =	ssub.s32 @!p0 $0x0, s1;
	[sflag:s0] =	ssyncset.done @!p0 $0x0  }
0x189: {  	[sflag:s0] =	ssyncadd.s32 @!p0 s1  }
0x18a: {  	[bflag:$0x3] =	sbarrier.arrive $0xFFFF  }
0x18b: {  	_ =	shalt  }

</sc_bundles>
